<compile_context>
chip_gen: v7x
topology: tpu7x:2x2x1
jax: 0.10.2.dev20260603
libtpu: 0.0.44.dev20260713+nightly
codegen_flags: <defaults>
</compile_context>

<pallas_src>
import functools
import jax
import jax.numpy as jnp
from jax import lax
from jax.experimental import pallas as pl
from jax.experimental.pallas import tpu as pltpu
from jax.experimental.pallas import tpu_sc as plsc

DIM = 128
H = 4
HD = 32
BSZ = 1024
ACC_R = BSZ + 8
N_ROWS = 100000
N_PAD = 102400
BLK = 1000
NC = 2
NS = 16
NW = NC * NS
ROWS_W = N_PAD // NW
CH = 64
NCH = ROWS_W // CH
ROWS_T = BSZ // NS


def _bmat16():
    hrow = lax.broadcasted_iota(jnp.int32, (16, DIM), 0)
    hcol = lax.broadcasted_iota(jnp.int32, (16, DIM), 1) // HD
    return (hrow == hcol).astype(jnp.float32)


def _proj_body(batch_ref, x_ref, wvt_ref, a_ref, c_ref, bv_ref,
               ev_ref, s_ref, accs):
    i = pl.program_id(0)

    @pl.when(i == 0)
    def _init():
        accs[...] = jnp.zeros_like(accs)

    x = x_ref[...]
    v = jnp.dot(x, wvt_ref[...],
                preferred_element_type=jnp.float32) + bv_ref[...]
    attn = jnp.dot(x, a_ref[...],
                   preferred_element_type=jnp.float32) + c_ref[...]
    e = jnp.exp(attn)
    eb = jnp.dot(e, _bmat16(), preferred_element_type=jnp.float32)
    ev_ref[...] = eb * v

    brow = batch_ref[0].astype(jnp.float32)
    seg = lax.broadcasted_iota(jnp.int32, (BSZ, BLK), 0).astype(jnp.float32)
    oht = (jnp.broadcast_to(brow, (BSZ, BLK)) == seg).astype(jnp.bfloat16)
    accs[...] += jnp.dot(oht, e.astype(jnp.bfloat16),
                         preferred_element_type=jnp.float32)

    @pl.when(i == pl.num_programs(0) - 1)
    def _fin():
        s_ref[...] = accs[...]


def _sc_body(ev_h, idx_h, pout_h, ibuf, vbuf_a, vbuf_b, zbuf,
             accp, sem_a, sem_b):
    cid = lax.axis_index("c")
    sid = lax.axis_index("s")
    wid = cid * NS + sid

    for r in range(8):
        for q in range(8):
            zbuf[r, pl.ds(q * 16, 16)] = jnp.zeros((16,), jnp.float32)
    for k in range(8):
        pltpu.sync_copy(zbuf, accp.at[pl.ds(sid * ROWS_T + k * 8, 8)])

    @pl.when(sid == 0)
    def _init_dump():
        pltpu.sync_copy(zbuf, accp.at[pl.ds(BSZ, 8)])
    plsc.subcore_barrier()

    pltpu.sync_copy(idx_h.at[wid], ibuf)
    base = wid * ROWS_W

    def start_load(j, buf, sem):
        pltpu.async_copy(ev_h.at[pl.ds(base + j * CH, CH)], buf, sem)

    def wait_load(buf, sem):
        pltpu.make_async_copy(ev_h.at[pl.ds(0, CH)], buf, sem).wait()

    start_load(0, vbuf_a, sem_a)

    def outer(t, carry):
        jj = 2 * t
        start_load(jj + 1, vbuf_b, sem_b)
        wait_load(vbuf_a, sem_a)
        pltpu.sync_copy(vbuf_a, accp.at[ibuf.at[jj]], add=True)

        @pl.when(jj + 2 < NCH)
        def _():
            start_load(jj + 2, vbuf_a, sem_a)
        wait_load(vbuf_b, sem_b)
        pltpu.sync_copy(vbuf_b, accp.at[ibuf.at[jj + 1]], add=True)
        return carry

    lax.fori_loop(0, NCH // 2, outer, 0)
    plsc.subcore_barrier()

    r0 = sid * ROWS_T
    pltpu.sync_copy(accp.at[pl.ds(r0, ROWS_T)],
                    pout_h.at[cid, pl.ds(r0, ROWS_T)])


def _sc_call(ev, idx3):
    mesh = plsc.VectorSubcoreMesh(core_axis_name="c", subcore_axis_name="s")
    sc_fn = functools.partial(
        pl.kernel,
        out_type=jax.ShapeDtypeStruct((NC, BSZ, DIM), jnp.float32),
        mesh=mesh,
        scratch_types=[
            pltpu.VMEM((NCH, CH), jnp.int32),
            pltpu.VMEM((CH, DIM), jnp.float32),
            pltpu.VMEM((CH, DIM), jnp.float32),
            pltpu.VMEM((8, DIM), jnp.float32),
            pltpu.VMEM_SHARED((ACC_R, DIM), jnp.float32),
            pltpu.SemaphoreType.DMA,
            pltpu.SemaphoreType.DMA,
        ],
    )(_sc_body)
    return sc_fn(ev, idx3)


def _comb_body(p_ref, s_ref, out_ref):
    p = p_ref[0] + p_ref[1]
    sb = jnp.dot(s_ref[...], _bmat16(), preferred_element_type=jnp.float32)
    out_ref[...] = p / (sb + 1e-8)


def kernel(x, batch, query, W_k, b_k, W_v, b_v):
    scale = HD ** -0.5
    wkt = W_k.T
    a4 = scale * (wkt.reshape(DIM, H, HD) * query[None, :, :]).sum(-1)
    a16 = jnp.pad(a4, ((0, 0), (0, 12)))
    c4 = scale * (b_k.reshape(H, HD) * query).sum(-1)
    c16 = jnp.pad(c4, (0, 12)).reshape(1, 16)
    wvt = W_v.T
    bv = b_v.reshape(1, DIM)

    bi = batch.astype(jnp.int32)
    nblk = N_ROWS // BLK
    batchf = bi.reshape(nblk, 1, BLK)
    ev, s = pl.pallas_call(
        _proj_body,
        grid=(nblk,),
        in_specs=[
            pl.BlockSpec((1, 1, BLK), lambda i: (i, 0, 0)),
            pl.BlockSpec((BLK, DIM), lambda i: (i, 0)),
            pl.BlockSpec((DIM, DIM), lambda i: (0, 0)),
            pl.BlockSpec((DIM, 16), lambda i: (0, 0)),
            pl.BlockSpec((1, 16), lambda i: (0, 0)),
            pl.BlockSpec((1, DIM), lambda i: (0, 0)),
        ],
        out_specs=[
            pl.BlockSpec((BLK, DIM), lambda i: (i, 0)),
            pl.BlockSpec((BSZ, 16), lambda i: (0, 0)),
        ],
        out_shape=[
            jax.ShapeDtypeStruct((N_PAD, DIM), jnp.float32),
            jax.ShapeDtypeStruct((BSZ, 16), jnp.float32),
        ],
        scratch_shapes=[pltpu.VMEM((BSZ, 16), jnp.float32)],
    )(batchf, x, wvt, a16, c16, bv)

    idx3 = jnp.pad(bi, (0, N_PAD - N_ROWS),
                   constant_values=BSZ).reshape(NW, NCH, CH)
    p2 = _sc_call(ev, idx3)

    out = pl.pallas_call(
        _comb_body,
        out_shape=jax.ShapeDtypeStruct((BSZ, DIM), jnp.float32),
    )(p2, s)
    return out

# --- scband reference (transcript-rebuilt; emitter-appended) ---
"""Pipeline reference for scband-attention-pooling-50714973831821 (READ-ONLY COPY).

The authoritative reference and input builder live on the scoring server;
editing this copy changes nothing except your own understanding.
"""

import jax, jax.numpy as jnp
import numpy as np

DIM = 128
NUM_HEADS = 4
HEAD_DIM = DIM // NUM_HEADS
N = 100000
B = 1024

def setup_inputs(seed: int = 0) -> dict:
    key = jax.random.key(seed)
    k1, k2, k3, k4, k5, k6, k7 = jax.random.split(key, 7)
    x = jax.random.normal(k1, (N, DIM), dtype=jnp.float32)
    batch = jnp.sort(jax.random.randint(k2, (N,), 0, B, dtype=jnp.int64))
    batch = batch.at[-1].set(B - 1)  # ensure B segments present
    # learned params (match torch nn.Linear: y = x @ W.T + b)
    query = jax.random.normal(k3, (NUM_HEADS, HEAD_DIM), dtype=jnp.float32)
    W_k = jax.random.normal(k4, (DIM, DIM), dtype=jnp.float32) * (1.0 / np.sqrt(DIM))
    b_k = jax.random.normal(k5, (DIM,), dtype=jnp.float32) * 0.01
    W_v = jax.random.normal(k6, (DIM, DIM), dtype=jnp.float32) * (1.0 / np.sqrt(DIM))
    b_v = jax.random.normal(k7, (DIM,), dtype=jnp.float32) * 0.01
    return {"x": x, "batch": batch, "query": query, "W_k": W_k, "b_k": b_k, "W_v": W_v, "b_v": b_v}

def reference(x, batch, query, W_k, b_k, W_v, b_v):
    Bsz = B
    scale = HEAD_DIM ** (-0.5)
    k = (x @ W_k.T + b_k).reshape(-1, NUM_HEADS, HEAD_DIM)
    v = (x @ W_v.T + b_v).reshape(-1, NUM_HEADS, HEAD_DIM)
    q = query[None, :, :]
    attn = (q * k).sum(axis=-1) * scale               # [N, H]
    attn_exp = jnp.exp(attn)
    seg_sum = jax.ops.segment_sum(attn_exp, batch, num_segments=Bsz)  # [B, H]
    attn_sum = seg_sum[batch]                          # [N, H] gather
    attn_norm = attn_exp / (attn_sum + 1e-08)
    weighted = attn_norm[:, :, None] * v               # [N, H, D]
    pooled = jax.ops.segment_sum(weighted, batch, num_segments=Bsz)   # [B, H, D]
    return pooled.reshape(Bsz, -1)

if __name__ == "__main__":
    import jax
    _d = setup_inputs()
    print(jax.jit(kernel)(*tuple(_d.values())))

</pallas_src>

<mosaic_0001>
#map = affine_map<(d0, d1) -> (0, 0)>
#map1 = affine_map<(d0, d1) -> (0, 0, 0)>
module attributes {stable_mosaic.version = 14 : i64} {
  func.func @_sc_body(%arg0: i32, %arg1: i32, %arg2: memref<102400x128xf32, #tpu.memory_space<hbm>>, %arg3: memref<32x50x64xi32, #tpu.memory_space<hbm>>, %arg4: memref<2x1024x128xf32, #tpu.memory_space<hbm>>, %arg5: memref<50x64xi32, #tpu.memory_space<vmem>>, %arg6: memref<64x128xf32, #tpu.memory_space<vmem>>, %arg7: memref<64x128xf32, #tpu.memory_space<vmem>>, %arg8: memref<8x128xf32, #tpu.memory_space<vmem>>, %arg9: memref<1032x128xf32, #tpu.memory_space<vmem_shared>>, %arg10: memref<!tpu.dma_semaphore, #tpu.memory_space<semaphore_mem>>, %arg11: memref<!tpu.dma_semaphore, #tpu.memory_space<semaphore_mem>>) attributes {dimension_semantics = [#tpu.dimension_semantics<core_parallel>, #tpu.dimension_semantics<subcore_parallel>], iteration_bounds = array<i64: 2, 16>, scalar_prefetch = 0 : i64, scratch_operands = 7 : i64, tpu.core_type = #tpu.core_type<sc_vector_subcore>, window_params = [{transform_indices = #map}, {transform_indices = #map1}, {transform_indices = #map1}]} {
    %mul3A = arith.constant 16 : i32
    %mul3A_0 = arith.muli %arg0, %mul3A : i32
    %add3A = arith.addi %mul3A_0, %arg1 : i32
    %broadcast_in_dim3A = arith.constant 0.000000e+00 : f32
    %broadcast_in_dim3A_1 = vector.broadcast %broadcast_in_dim3A : f32 to vector<16xf32>
    %swap3A = arith.constant 0 : i32
    %swap3A_2 = arith.index_cast %swap3A : i32 to index
    %swap3A_3 = arith.constant 0 : index
    %swap3A_4 = tpu.vector_load %arg8[%swap3A_2, %swap3A_3] {strides = array<i32>} : memref<8x128xf32, #tpu.memory_space<vmem>>, vector<1x16xf32>,
    %swap3A_5 = vector.shape_cast %swap3A_4 : vector<1x16xf32> to vector<16xf32>
    %swap3A_6 = vector.shape_cast %broadcast_in_dim3A_1 : vector<16xf32> to vector<1x16xf32>
    tpu.vector_store %arg8[%swap3A_2, %swap3A_3], %swap3A_6 {strides = array<i32>} : memref<8x128xf32, #tpu.memory_space<vmem>>, vector<1x16xf32>,
    %broadcast_in_dim3A_7 = arith.constant 0.000000e+00 : f32
    %broadcast_in_dim3A_8 = vector.broadcast %broadcast_in_dim3A_7 : f32 to vector<16xf32>
    %swap3A_9 = arith.constant 0 : i32
    %swap3A_10 = arith.index_cast %swap3A_9 : i32 to index
    %swap3A_11 = arith.constant 16 : index
    %swap3A_12 = tpu.vector_load %arg8[%swap3A_10, %swap3A_11] {strides = array<i32>} : memref<8x128xf32, #tpu.memory_space<vmem>>, vector<1x16xf32>,
    %swap3A_13 = vector.shape_cast %swap3A_12 : vector<1x16xf32> to vector<16xf32>
    %swap3A_14 = vector.shape_cast %broadcast_in_dim3A_8 : vector<16xf32> to vector<1x16xf32>
    tpu.vector_store %arg8[%swap3A_10, %swap3A_11], %swap3A_14 {strides = array<i32>} : memref<8x128xf32, #tpu.memory_space<vmem>>, vector<1x16xf32>,
    %broadcast_in_dim3A_15 = arith.constant 0.000000e+00 : f32
    %broadcast_in_dim3A_16 = vector.broadcast %broadcast_in_dim3A_15 : f32 to vector<16xf32>
    %swap3A_17 = arith.constant 0 : i32
    %swap3A_18 = arith.index_cast %swap3A_17 : i32 to index
    %swap3A_19 = arith.constant 32 : index
    %swap3A_20 = tpu.vector_load %arg8[%swap3A_18, %swap3A_19] {strides = array<i32>} : memref<8x128xf32, #tpu.memory_space<vmem>>, vector<1x16xf32>,
    %swap3A_21 = vector.shape_cast %swap3A_20 : vector<1x16xf32> to vector<16xf32>
    %swap3A_22 = vector.shape_cast %broadcast_in_dim3A_16 : vector<16xf32> to vector<1x16xf32>
    tpu.vector_store %arg8[%swap3A_18, %swap3A_19], %swap3A_22 {strides = array<i32>} : memref<8x128xf32, #tpu.memory_space<vmem>>, vector<1x16xf32>,
    %broadcast_in_dim3A_23 = arith.constant 0.000000e+00 : f32
    %broadcast_in_dim3A_24 = vector.broadcast %broadcast_in_dim3A_23 : f32 to vector<16xf32>
    %swap3A_25 = arith.constant 0 : i32
    %swap3A_26 = arith.index_cast %swap3A_25 : i32 to index
    %swap3A_27 = arith.constant 48 : index
    %swap3A_28 = tpu.vector_load %arg8[%swap3A_26, %swap3A_27] {strides = array<i32>} : memref<8x128xf32, #tpu.memory_space<vmem>>, vector<1x16xf32>,
    %swap3A_29 = vector.shape_cast %swap3A_28 : vector<1x16xf32> to vector<16xf32>
    %swap3A_30 = vector.shape_cast %broadcast_in_dim3A_24 : vector<16xf32> to vector<1x16xf32>
    tpu.vector_store %arg8[%swap3A_26, %swap3A_27], %swap3A_30 {strides = array<i32>} : memref<8x128xf32, #tpu.memory_space<vmem>>, vector<1x16xf32>,
    %broadcast_in_dim3A_31 = arith.constant 0.000000e+00 : f32
    %broadcast_in_dim3A_32 = vector.broadcast %broadcast_in_dim3A_31 : f32 to vector<16xf32>
    %swap3A_33 = arith.constant 0 : i32
    %swap3A_34 = arith.index_cast %swap3A_33 : i32 to index
    %swap3A_35 = arith.constant 64 : index
    %swap3A_36 = tpu.vector_load %arg8[%swap3A_34, %swap3A_35] {strides = array<i32>} : memref<8x128xf32, #tpu.memory_space<vmem>>, vector<1x16xf32>,
    %swap3A_37 = vector.shape_cast %swap3A_36 : vector<1x16xf32> to vector<16xf32>
    %swap3A_38 = vector.shape_cast %broadcast_in_dim3A_32 : vector<16xf32> to vector<1x16xf32>
    tpu.vector_store %arg8[%swap3A_34, %swap3A_35], %swap3A_38 {strides = array<i32>} : memref<8x128xf32, #tpu.memory_space<vmem>>, vector<1x16xf32>,
    %broadcast_in_dim3A_39 = arith.constant 0.000000e+00 : f32
    %broadcast_in_dim3A_40 = vector.broadcast %broadcast_in_dim3A_39 : f32 to vector<16xf32>
    %swap3A_41 = arith.constant 0 : i32
    %swap3A_42 = arith.index_cast %swap3A_41 : i32 to index
    %swap3A_43 = arith.constant 80 : index
    %swap3A_44 = tpu.vector_load %arg8[%swap3A_42, %swap3A_43] {strides = array<i32>} : memref<8x128xf32, #tpu.memory_space<vmem>>, vector<1x16xf32>,
    %swap3A_45 = vector.shape_cast %swap3A_44 : vector<1x16xf32> to vector<16xf32>
    %swap3A_46 = vector.shape_cast %broadcast_in_dim3A_40 : vector<16xf32> to vector<1x16xf32>
    tpu.vector_store %arg8[%swap3A_42, %swap3A_43], %swap3A_46 {strides = array<i32>} : memref<8x128xf32, #tpu.memory_space<vmem>>, vector<1x16xf32>,
    %broadcast_in_dim3A_47 = arith.constant 0.000000e+00 : f32
    %broadcast_in_dim3A_48 = vector.broadcast %broadcast_in_dim3A_47 : f32 to vector<16xf32>
    %swap3A_49 = arith.constant 0 : i32
    %swap3A_50 = arith.index_cast %swap3A_49 : i32 to index
    %swap3A_51 = arith.constant 96 : index
    %swap3A_52 = tpu.vector_load %arg8[%swap3A_50, %swap3A_51] {strides = array<i32>} : memref<8x128xf32, #tpu.memory_space<vmem>>, vector<1x16xf32>,
    %swap3A_53 = vector.shape_cast %swap3A_52 : vector<1x16xf32> to vector<16xf32>
    %swap3A_54 = vector.shape_cast %broadcast_in_dim3A_48 : vector<16xf32> to vector<1x16xf32>
    tpu.vector_store %arg8[%swap3A_50, %swap3A_51], %swap3A_54 {strides = array<i32>} : memref<8x128xf32, #tpu.memory_space<vmem>>, vector<1x16xf32>,
    %broadcast_in_dim3A_55 = arith.constant 0.000000e+00 : f32
    %broadcast_in_dim3A_56 = vector.broadcast %broadcast_in_dim3A_55 : f32 to vector<16xf32>
    %swap3A_57 = arith.constant 0 : i32
    %swap3A_58 = arith.index_cast %swap3A_57 : i32 to index
    %swap3A_59 = arith.constant 112 : index
    %swap3A_60 = tpu.vector_load %arg8[%swap3A_58, %swap3A_59] {strides = array<i32>} : memref<8x128xf32, #tpu.memory_space<vmem>>, vector<1x16xf32>,
    %swap3A_61 = vector.shape_cast %swap3A_60 : vector<1x16xf32> to vector<16xf32>
    %swap3A_62 = vector.shape_cast %broadcast_in_dim3A_56 : vector<16xf32> to vector<1x16xf32>
    tpu.vector_store %arg8[%swap3A_58, %swap3A_59], %swap3A_62 {strides = array<i32>} : memref<8x128xf32, #tpu.memory_space<vmem>>, vector<1x16xf32>,
    %broadcast_in_dim3A_63 = arith.constant 0.000000e+00 : f32
    %broadcast_in_dim3A_64 = vector.broadcast %broadcast_in_dim3A_63 : f32 to vector<16xf32>
    %swap3A_65 = arith.constant 1 : i32
    %swap3A_66 = arith.index_cast %swap3A_65 : i32 to index
    %swap3A_67 = arith.constant 0 : index
    %swap3A_68 = tpu.vector_load %arg8[%swap3A_66, %swap3A_67] {strides = array<i32>} : memref<8x128xf32, #tpu.memory_space<vmem>>, vector<1x16xf32>,
    %swap3A_69 = vector.shape_cast %swap3A_68 : vector<1x16xf32> to vector<16xf32>
    %swap3A_70 = vector.shape_cast %broadcast_in_dim3A_64 : vector<16xf32> to vector<1x16xf32>
    tpu.vector_store %arg8[%swap3A_66, %swap3A_67], %swap3A_70 {strides = array<i32>} : memref<8x128xf32, #tpu.memory_space<vmem>>, vector<1x16xf32>,
    %broadcast_in_dim3A_71 = arith.constant 0.000000e+00 : f32
    %broadcast_in_dim3A_72 = vector.broadcast %broadcast_in_dim3A_71 : f32 to vector<16xf32>
    %swap3A_73 = arith.constant 1 : i32
    %swap3A_74 = arith.index_cast %swap3A_73 : i32 to index
    %swap3A_75 = arith.constant 16 : index
    %swap3A_76 = tpu.vector_load %arg8[%swap3A_74, %swap3A_75] {strides = array<i32>} : memref<8x128xf32, #tpu.memory_space<vmem>>, vector<1x16xf32>,
    %swap3A_77 = vector.shape_cast %swap3A_76 : vector<1x16xf32> to vector<16xf32>
    %swap3A_78 = vector.shape_cast %broadcast_in_dim3A_72 : vector<16xf32> to vector<1x16xf32>
    tpu.vector_store %arg8[%swap3A_74, %swap3A_75], %swap3A_78 {strides = array<i32>} : memref<8x128xf32, #tpu.memory_space<vmem>>, vector<1x16xf32>,
    %broadcast_in_dim3A_79 = arith.constant 0.000000e+00 : f32
    %broadcast_in_dim3A_80 = vector.broadcast %broadcast_in_dim3A_79 : f32 to vector<16xf32>
    %swap3A_81 = arith.constant 1 : i32
    %swap3A_82 = arith.index_cast %swap3A_81 : i32 to index
    %swap3A_83 = arith.constant 32 : index
    %swap3A_84 = tpu.vector_load %arg8[%swap3A_82, %swap3A_83] {strides = array<i32>} : memref<8x128xf32, #tpu.memory_space<vmem>>, vector<1x16xf32>,
    %swap3A_85 = vector.shape_cast %swap3A_84 : vector<1x16xf32> to vector<16xf32>
    %swap3A_86 = vector.shape_cast %broadcast_in_dim3A_80 : vector<16xf32> to vector<1x16xf32>
    tpu.vector_store %arg8[%swap3A_82, %swap3A_83], %swap3A_86 {strides = array<i32>} : memref<8x128xf32, #tpu.memory_space<vmem>>, vector<1x16xf32>,
    %broadcast_in_dim3A_87 = arith.constant 0.000000e+00 : f32
    %broadcast_in_dim3A_88 = vector.broadcast %broadcast_in_dim3A_87 : f32 to vector<16xf32>
    %swap3A_89 = arith.constant 1 : i32
    %swap3A_90 = arith.index_cast %swap3A_89 : i32 to index
    %swap3A_91 = arith.constant 48 : index
    %swap3A_92 = tpu.vector_load %arg8[%swap3A_90, %swap3A_91] {strides = array<i32>} : memref<8x128xf32, #tpu.memory_space<vmem>>, vector<1x16xf32>,
    %swap3A_93 = vector.shape_cast %swap3A_92 : vector<1x16xf32> to vector<16xf32>
    %swap3A_94 = vector.shape_cast %broadcast_in_dim3A_88 : vector<16xf32> to vector<1x16xf32>
    tpu.vector_store %arg8[%swap3A_90, %swap3A_91], %swap3A_94 {strides = array<i32>} : memref<8x128xf32, #tpu.memory_space<vmem>>, vector<1x16xf32>,
    %broadcast_in_dim3A_95 = arith.constant 0.000000e+00 : f32
    %broadcast_in_dim3A_96 = vector.broadcast %broadcast_in_dim3A_95 : f32 to vector<16xf32>
    %swap3A_97 = arith.constant 1 : i32
    %swap3A_98 = arith.index_cast %swap3A_97 : i32 to index
    %swap3A_99 = arith.constant 64 : index
    %swap3A_100 = tpu.vector_load %arg8[%swap3A_98, %swap3A_99] {strides = array<i32>} : memref<8x128xf32, #tpu.memory_space<vmem>>, vector<1x16xf32>,
    %swap3A_101 = vector.shape_cast %swap3A_100 : vector<1x16xf32> to vector<16xf32>
    %swap3A_102 = vector.shape_cast %broadcast_in_dim3A_96 : vector<16xf32> to vector<1x16xf32>
    tpu.vector_store %arg8[%swap3A_98, %swap3A_99], %swap3A_102 {strides = array<i32>} : memref<8x128xf32, #tpu.memory_space<vmem>>, vector<1x16xf32>,
    %broadcast_in_dim3A_103 = arith.constant 0.000000e+00 : f32
    %broadcast_in_dim3A_104 = vector.broadcast %broadcast_in_dim3A_103 : f32 to vector<16xf32>
    %swap3A_105 = arith.constant 1 : i32
    %swap3A_106 = arith.index_cast %swap3A_105 : i32 to index
    %swap3A_107 = arith.constant 80 : index
    %swap3A_108 = tpu.vector_load %arg8[%swap3A_106, %swap3A_107] {strides = array<i32>} : memref<8x128xf32, #tpu.memory_space<vmem>>, vector<1x16xf32>,
    %swap3A_109 = vector.shape_cast %swap3A_108 : vector<1x16xf32> to vector<16xf32>
    %swap3A_110 = vector.shape_cast %broadcast_in_dim3A_104 : vector<16xf32> to vector<1x16xf32>
    tpu.vector_store %arg8[%swap3A_106, %swap3A_107], %swap3A_110 {strides = array<i32>} : memref<8x128xf32, #tpu.memory_space<vmem>>, vector<1x16xf32>,
    %broadcast_in_dim3A_111 = arith.constant 0.000000e+00 : f32
    %broadcast_in_dim3A_112 = vector.broadcast %broadcast_in_dim3A_111 : f32 to vector<16xf32>
    %swap3A_113 = arith.constant 1 : i32
    %swap3A_114 = arith.index_cast %swap3A_113 : i32 to index
    %swap3A_115 = arith.constant 96 : index
    %swap3A_116 = tpu.vector_load %arg8[%swap3A_114, %swap3A_115] {strides = array<i32>} : memref<8x128xf32, #tpu.memory_space<vmem>>, vector<1x16xf32>,
    %swap3A_117 = vector.shape_cast %swap3A_116 : vector<1x16xf32> to vector<16xf32>
    %swap3A_118 = vector.shape_cast %broadcast_in_dim3A_112 : vector<16xf32> to vector<1x16xf32>
    tpu.vector_store %arg8[%swap3A_114, %swap3A_115], %swap3A_118 {strides = array<i32>} : memref<8x128xf32, #tpu.memory_space<vmem>>, vector<1x16xf32>,
    %broadcast_in_dim3A_119 = arith.constant 0.000000e+00 : f32
    %broadcast_in_dim3A_120 = vector.broadcast %broadcast_in_dim3A_119 : f32 to vector<16xf32>
    %swap3A_121 = arith.constant 1 : i32
    %swap3A_122 = arith.index_cast %swap3A_121 : i32 to index
    %swap3A_123 = arith.constant 112 : index
    %swap3A_124 = tpu.vector_load %arg8[%swap3A_122, %swap3A_123] {strides = array<i32>} : memref<8x128xf32, #tpu.memory_space<vmem>>, vector<1x16xf32>,
    %swap3A_125 = vector.shape_cast %swap3A_124 : vector<1x16xf32> to vector<16xf32>
    %swap3A_126 = vector.shape_cast %broadcast_in_dim3A_120 : vector<16xf32> to vector<1x16xf32>
    tpu.vector_store %arg8[%swap3A_122, %swap3A_123], %swap3A_126 {strides = array<i32>} : memref<8x128xf32, #tpu.memory_space<vmem>>, vector<1x16xf32>,
    %broadcast_in_dim3A_127 = arith.constant 0.000000e+00 : f32
    %broadcast_in_dim3A_128 = vector.broadcast %broadcast_in_dim3A_127 : f32 to vector<16xf32>
    %swap3A_129 = arith.constant 2 : i32
    %swap3A_130 = arith.index_cast %swap3A_129 : i32 to index
    %swap3A_131 = arith.constant 0 : index
    %swap3A_132 = tpu.vector_load %arg8[%swap3A_130, %swap3A_131] {strides = array<i32>} : memref<8x128xf32, #tpu.memory_space<vmem>>, vector<1x16xf32>,
    %swap3A_133 = vector.shape_cast %swap3A_132 : vector<1x16xf32> to vector<16xf32>
    %swap3A_134 = vector.shape_cast %broadcast_in_dim3A_128 : vector<16xf32> to vector<1x16xf32>
    tpu.vector_store %arg8[%swap3A_130, %swap3A_131], %swap3A_134 {strides = array<i32>} : memref<8x128xf32, #tpu.memory_space<vmem>>, vector<1x16xf32>,
    %broadcast_in_dim3A_135 = arith.constant 0.000000e+00 : f32
    %broadcast_in_dim3A_136 = vector.broadcast %broadcast_in_dim3A_135 : f32 to vector<16xf32>
    %swap3A_137 = arith.constant 2 : i32
    %swap3A_138 = arith.index_cast %swap3A_137 : i32 to index
    %swap3A_139 = arith.constant 16 : index
    %swap3A_140 = tpu.vector_load %arg8[%swap3A_138, %swap3A_139] {strides = array<i32>} : memref<8x128xf32, #tpu.memory_space<vmem>>, vector<1x16xf32>,
    %swap3A_141 = vector.shape_cast %swap3A_140 : vector<1x16xf32> to vector<16xf32>
    %swap3A_142 = vector.shape_cast %broadcast_in_dim3A_136 : vector<16xf32> to vector<1x16xf32>
    tpu.vector_store %arg8[%swap3A_138, %swap3A_139], %swap3A_142 {strides = array<i32>} : memref<8x128xf32, #tpu.memory_space<vmem>>, vector<1x16xf32>,
    %broadcast_in_dim3A_143 = arith.constant 0.000000e+00 : f32
    %broadcast_in_dim3A_144 = vector.broadcast %broadcast_in_dim3A_143 : f32 to vector<16xf32>
    %swap3A_145 = arith.constant 2 : i32
    %swap3A_146 = arith.index_cast %swap3A_145 : i32 to index
    %swap3A_147 = arith.constant 32 : index
    %swap3A_148 = tpu.vector_load %arg8[%swap3A_146, %swap3A_147] {strides = array<i32>} : memref<8x128xf32, #tpu.memory_space<vmem>>, vector<1x16xf32>,
    %swap3A_149 = vector.shape_cast %swap3A_148 : vector<1x16xf32> to vector<16xf32>
    %swap3A_150 = vector.shape_cast %broadcast_in_dim3A_144 : vector<16xf32> to vector<1x16xf32>
    tpu.vector_store %arg8[%swap3A_146, %swap3A_147], %swap3A_150 {strides = array<i32>} : memref<8x128xf32, #tpu.memory_space<vmem>>, vector<1x16xf32>,
    %broadcast_in_dim3A_151 = arith.constant 0.000000e+00 : f32
    %broadcast_in_dim3A_152 = vector.broadcast %broadcast_in_dim3A_151 : f32 to vector<16xf32>
    %swap3A_153 = arith.constant 2 : i32
    %swap3A_154 = arith.index_cast %swap3A_153 : i32 to index
    %swap3A_155 = arith.constant 48 : index
    %swap3A_156 = tpu.vector_load %arg8[%swap3A_154, %swap3A_155] {strides = array<i32>} : memref<8x128xf32, #tpu.memory_space<vmem>>, vector<1x16xf32>,
    %swap3A_157 = vector.shape_cast %swap3A_156 : vector<1x16xf32> to vector<16xf32>
    %swap3A_158 = vector.shape_cast %broadcast_in_dim3A_152 : vector<16xf32> to vector<1x16xf32>
    tpu.vector_store %arg8[%swap3A_154, %swap3A_155], %swap3A_158 {strides = array<i32>} : memref<8x128xf32, #tpu.memory_space<vmem>>, vector<1x16xf32>,
    %broadcast_in_dim3A_159 = arith.constant 0.000000e+00 : f32
    %broadcast_in_dim3A_160 = vector.broadcast %broadcast_in_dim3A_159 : f32 to vector<16xf32>
    %swap3A_161 = arith.constant 2 : i32
    %swap3A_162 = arith.index_cast %swap3A_161 : i32 to index
    %swap3A_163 = arith.constant 64 : index
    %swap3A_164 = tpu.vector_load %arg8[%swap3A_162, %swap3A_163] {strides = array<i32>} : memref<8x128xf32, #tpu.memory_space<vmem>>, vector<1x16xf32>,
    %swap3A_165 = vector.shape_cast %swap3A_164 : vector<1x16xf32> to vector<16xf32>
    %swap3A_166 = vector.shape_cast %broadcast_in_dim3A_160 : vector<16xf32> to vector<1x16xf32>
    tpu.vector_store %arg8[%swap3A_162, %swap3A_163], %swap3A_166 {strides = array<i32>} : memref<8x128xf32, #tpu.memory_space<vmem>>, vector<1x16xf32>,
    %broadcast_in_dim3A_167 = arith.constant 0.000000e+00 : f32
    %broadcast_in_dim3A_168 = vector.broadcast %broadcast_in_dim3A_167 : f32 to vector<16xf32>
    %swap3A_169 = arith.constant 2 : i32
    %swap3A_170 = arith.index_cast %swap3A_169 : i32 to index
    %swap3A_171 = arith.constant 80 : index
    %swap3A_172 = tpu.vector_load %arg8[%swap3A_170, %swap3A_171] {strides = array<i32>} : memref<8x128xf32, #tpu.memory_space<vmem>>, vector<1x16xf32>,
    %swap3A_173 = vector.shape_cast %swap3A_172 : vector<1x16xf32> to vector<16xf32>
    %swap3A_174 = vector.shape_cast %broadcast_in_dim3A_168 : vector<16xf32> to vector<1x16xf32>
    tpu.vector_store %arg8[%swap3A_170, %swap3A_171], %swap3A_174 {strides = array<i32>} : memref<8x128xf32, #tpu.memory_space<vmem>>, vector<1x16xf32>,
    %broadcast_in_dim3A_175 = arith.constant 0.000000e+00 : f32
    %broadcast_in_dim3A_176 = vector.broadcast %broadcast_in_dim3A_175 : f32 to vector<16xf32>
    %swap3A_177 = arith.constant 2 : i32
    %swap3A_178 = arith.index_cast %swap3A_177 : i32 to index
    %swap3A_179 = arith.constant 96 : index
    %swap3A_180 = tpu.vector_load %arg8[%swap3A_178, %swap3A_179] {strides = array<i32>} : memref<8x128xf32, #tpu.memory_space<vmem>>, vector<1x16xf32>,
    %swap3A_181 = vector.shape_cast %swap3A_180 : vector<1x16xf32> to vector<16xf32>
    %swap3A_182 = vector.shape_cast %broadcast_in_dim3A_176 : vector<16xf32> to vector<1x16xf32>
    tpu.vector_store %arg8[%swap3A_178, %swap3A_179], %swap3A_182 {strides = array<i32>} : memref<8x128xf32, #tpu.memory_space<vmem>>, vector<1x16xf32>,
    %broadcast_in_dim3A_183 = arith.constant 0.000000e+00 : f32
    %broadcast_in_dim3A_184 = vector.broadcast %broadcast_in_dim3A_183 : f32 to vector<16xf32>
    %swap3A_185 = arith.constant 2 : i32
    %swap3A_186 = arith.index_cast %swap3A_185 : i32 to index
    %swap3A_187 = arith.constant 112 : index
    %swap3A_188 = tpu.vector_load %arg8[%swap3A_186, %swap3A_187] {strides = array<i32>} : memref<8x128xf32, #tpu.memory_space<vmem>>, vector<1x16xf32>,
    %swap3A_189 = vector.shape_cast %swap3A_188 : vector<1x16xf32> to vector<16xf32>
    %swap3A_190 = vector.shape_cast %broadcast_in_dim3A_184 : vector<16xf32> to vector<1x16xf32>
    tpu.vector_store %arg8[%swap3A_186, %swap3A_187], %swap3A_190 {strides = array<i32>} : memref<8x128xf32, #tpu.memory_space<vmem>>, vector<1x16xf32>,
    %broadcast_in_dim3A_191 = arith.constant 0.000000e+00 : f32
    %broadcast_in_dim3A_192 = vector.broadcast %broadcast_in_dim3A_191 : f32 to vector<16xf32>
    %swap3A_193 = arith.constant 3 : i32
    %swap3A_194 = arith.index_cast %swap3A_193 : i32 to index
    %swap3A_195 = arith.constant 0 : index
    %swap3A_196 = tpu.vector_load %arg8[%swap3A_194, %swap3A_195] {strides = array<i32>} : memref<8x128xf32, #tpu.memory_space<vmem>>, vector<1x16xf32>,
    %swap3A_197 = vector.shape_cast %swap3A_196 : vector<1x16xf32> to vector<16xf32>
    %swap3A_198 = vector.shape_cast %broadcast_in_dim3A_192 : vector<16xf32> to vector<1x16xf32>
    tpu.vector_store %arg8[%swap3A_194, %swap3A_195], %swap3A_198 {strides = array<i32>} : memref<8x128xf32, #tpu.memory_space<vmem>>, vector<1x16xf32>,
    %broadcast_in_dim3A_199 = arith.constant 0.000000e+00 : f32
    %broadcast_in_dim3A_200 = vector.broadcast %broadcast_in_dim3A_199 : f32 to vector<16xf32>
    %swap3A_201 = arith.constant 3 : i32
    %swap3A_202 = arith.index_cast %swap3A_201 : i32 to index
    %swap3A_203 = arith.constant 16 : index
    %swap3A_204 = tpu.vector_load %arg8[%swap3A_202, %swap3A_203] {strides = array<i32>} : memref<8x128xf32, #tpu.memory_space<vmem>>, vector<1x16xf32>,
    %swap3A_205 = vector.shape_cast %swap3A_204 : vector<1x16xf32> to vector<16xf32>
    %swap3A_206 = vector.shape_cast %broadcast_in_dim3A_200 : vector<16xf32> to vector<1x16xf32>
    tpu.vector_store %arg8[%swap3A_202, %swap3A_203], %swap3A_206 {strides = array<i32>} : memref<8x128xf32, #tpu.memory_space<vmem>>, vector<1x16xf32>,
    %broadcast_in_dim3A_207 = arith.constant 0.000000e+00 : f32
    %broadcast_in_dim3A_208 = vector.broadcast %broadcast_in_dim3A_207 : f32 to vector<16xf32>
    %swap3A_209 = arith.constant 3 : i32
    %swap3A_210 = arith.index_cast %swap3A_209 : i32 to index
    %swap3A_211 = arith.constant 32 : index
    %swap3A_212 = tpu.vector_load %arg8[%swap3A_210, %swap3A_211] {strides = array<i32>} : memref<8x128xf32, #tpu.memory_space<vmem>>, vector<1x16xf32>,
    %swap3A_213 = vector.shape_cast %swap3A_212 : vector<1x16xf32> to vector<16xf32>
    %swap3A_214 = vector.shape_cast %broadcast_in_dim3A_208 : vector<16xf32> to vector<1x16xf32>
    tpu.vector_store %arg8[%swap3A_210, %swap3A_211], %swap3A_214 {strides = array<i32>} : memref<8x128xf32, #tpu.memory_space<vmem>>, vector<1x16xf32>,
    %broadcast_in_dim3A_215 = arith.constant 0.000000e+00 : f32
    %broadcast_in_dim3A_216 = vector.broadcast %broadcast_in_dim3A_215 : f32 to vector<16xf32>
    %swap3A_217 = arith.constant 3 : i32
    %swap3A_218 = arith.index_cast %swap3A_217 : i32 to index
    %swap3A_219 = arith.constant 48 : index
    %swap3A_220 = tpu.vector_load %arg8[%swap3A_218, %swap3A_219] {strides = array<i32>} : memref<8x128xf32, #tpu.memory_space<vmem>>, vector<1x16xf32>,
    %swap3A_221 = vector.shape_cast %swap3A_220 : vector<1x16xf32> to vector<16xf32>
    %swap3A_222 = vector.shape_cast %broadcast_in_dim3A_216 : vector<16xf32> to vector<1x16xf32>
    tpu.vector_store %arg8[%swap3A_218, %swap3A_219], %swap3A_222 {strides = array<i32>} : memref<8x128xf32, #tpu.memory_space<vmem>>, vector<1x16xf32>,
    %broadcast_in_dim3A_223 = arith.constant 0.000000e+00 : f32
    %broadcast_in_dim3A_224 = vector.broadcast %broadcast_in_dim3A_223 : f32 to vector<16xf32>
    %swap3A_225 = arith.constant 3 : i32
    %swap3A_226 = arith.index_cast %swap3A_225 : i32 to index
    %swap3A_227 = arith.constant 64 : index
    %swap3A_228 = tpu.vector_load %arg8[%swap3A_226, %swap3A_227] {strides = array<i32>} : memref<8x128xf32, #tpu.memory_space<vmem>>, vector<1x16xf32>,
    %swap3A_229 = vector.shape_cast %swap3A_228 : vector<1x16xf32> to vector<16xf32>
    %swap3A_230 = vector.shape_cast %broadcast_in_dim3A_224 : vector<16xf32> to vector<1x16xf32>
    tpu.vector_store %arg8[%swap3A_226, %swap3A_227], %swap3A_230 {strides = array<i32>} : memref<8x128xf32, #tpu.memory_space<vmem>>, vector<1x16xf32>,
    %broadcast_in_dim3A_231 = arith.constant 0.000000e+00 : f32
    %broadcast_in_dim3A_232 = vector.broadcast %broadcast_in_dim3A_231 : f32 to vector<16xf32>
    %swap3A_233 = arith.constant 3 : i32
    %swap3A_234 = arith.index_cast %swap3A_233 : i32 to index
    %swap3A_235 = arith.constant 80 : index
    %swap3A_236 = tpu.vector_load %arg8[%swap3A_234, %swap3A_235] {strides = array<i32>} : memref<8x128xf32, #tpu.memory_space<vmem>>, vector<1x16xf32>,
    %swap3A_237 = vector.shape_cast %swap3A_236 : vector<1x16xf32> to vector<16xf32>
    %swap3A_238 = vector.shape_cast %broadcast_in_dim3A_232 : vector<16xf32> to vector<1x16xf32>
    tpu.vector_store %arg8[%swap3A_234, %swap3A_235], %swap3A_238 {strides = array<i32>} : memref<8x128xf32, #tpu.memory_space<vmem>>, vector<1x16xf32>,
    %broadcast_in_dim3A_239 = arith.constant 0.000000e+00 : f32
    %broadcast_in_dim3A_240 = vector.broadcast %broadcast_in_dim3A_239 : f32 to vector<16xf32>
    %swap3A_241 = arith.constant 3 : i32
    %swap3A_242 = arith.index_cast %swap3A_241 : i32 to index
    %swap3A_243 = arith.constant 96 : index
    %swap3A_244 = tpu.vector_load %arg8[%swap3A_242, %swap3A_243] {strides = array<i32>} : memref<8x128xf32, #tpu.memory_space<vmem>>, vector<1x16xf32>,
    %swap3A_245 = vector.shape_cast %swap3A_244 : vector<1x16xf32> to vector<16xf32>
    %swap3A_246 = vector.shape_cast %broadcast_in_dim3A_240 : vector<16xf32> to vector<1x16xf32>
    tpu.vector_store %arg8[%swap3A_242, %swap3A_243], %swap3A_246 {strides = array<i32>} : memref<8x128xf32, #tpu.memory_space<vmem>>, vector<1x16xf32>,
    %broadcast_in_dim3A_247 = arith.constant 0.000000e+00 : f32
    %broadcast_in_dim3A_248 = vector.broadcast %broadcast_in_dim3A_247 : f32 to vector<16xf32>
    %swap3A_249 = arith.constant 3 : i32
    %swap3A_250 = arith.index_cast %swap3A_249 : i32 to index
    %swap3A_251 = arith.constant 112 : index
    %swap3A_252 = tpu.vector_load %arg8[%swap3A_250, %swap3A_251] {strides = array<i32>} : memref<8x128xf32, #tpu.memory_space<vmem>>, vector<1x16xf32>,
    %swap3A_253 = vector.shape_cast %swap3A_252 : vector<1x16xf32> to vector<16xf32>
    %swap3A_254 = vector.shape_cast %broadcast_in_dim3A_248 : vector<16xf32> to vector<1x16xf32>
    tpu.vector_store %arg8[%swap3A_250, %swap3A_251], %swap3A_254 {strides = array<i32>} : memref<8x128xf32, #tpu.memory_space<vmem>>, vector<1x16xf32>,
    %broadcast_in_dim3A_255 = arith.constant 0.000000e+00 : f32
    %broadcast_in_dim3A_256 = vector.broadcast %broadcast_in_dim3A_255 : f32 to vector<16xf32>
    %swap3A_257 = arith.constant 4 : i32
    %swap3A_258 = arith.index_cast %swap3A_257 : i32 to index
    %swap3A_259 = arith.constant 0 : index
    %swap3A_260 = tpu.vector_load %arg8[%swap3A_258, %swap3A_259] {strides = array<i32>} : memref<8x128xf32, #tpu.memory_space<vmem>>, vector<1x16xf32>,
    %swap3A_261 = vector.shape_cast %swap3A_260 : vector<1x16xf32> to vector<16xf32>
    %swap3A_262 = vector.shape_cast %broadcast_in_dim3A_256 : vector<16xf32> to vector<1x16xf32>
    tpu.vector_store %arg8[%swap3A_258, %swap3A_259], %swap3A_262 {strides = array<i32>} : memref<8x128xf32, #tpu.memory_space<vmem>>, vector<1x16xf32>,
    %broadcast_in_dim3A_263 = arith.constant 0.000000e+00 : f32
    %broadcast_in_dim3A_264 = vector.broadcast %broadcast_in_dim3A_263 : f32 to vector<16xf32>
    %swap3A_265 = arith.constant 4 : i32
    %swap3A_266 = arith.index_cast %swap3A_265 : i32 to index
    %swap3A_267 = arith.constant 16 : index
    %swap3A_268 = tpu.vector_load %arg8[%swap3A_266, %swap3A_267] {strides = array<i32>} : memref<8x128xf32, #tpu.memory_space<vmem>>, vector<1x16xf32>,
    %swap3A_269 = vector.shape_cast %swap3A_268 : vector<1x16xf32> to vector<16xf32>
    %swap3A_270 = vector.shape_cast %broadcast_in_dim3A_264 : vector<16xf32> to vector<1x16xf32>
    tpu.vector_store %arg8[%swap3A_266, %swap3A_267], %swap3A_270 {strides = array<i32>} : memref<8x128xf32, #tpu.memory_space<vmem>>, vector<1x16xf32>,
    %broadcast_in_dim3A_271 = arith.constant 0.000000e+00 : f32
    %broadcast_in_dim3A_272 = vector.broadcast %broadcast_in_dim3A_271 : f32 to vector<16xf32>
    %swap3A_273 = arith.constant 4 : i32
    %swap3A_274 = arith.index_cast %swap3A_273 : i32 to index
    %swap3A_275 = arith.constant 32 : index
    %swap3A_276 = tpu.vector_load %arg8[%swap3A_274, %swap3A_275] {strides = array<i32>} : memref<8x128xf32, #tpu.memory_space<vmem>>, vector<1x16xf32>,
    %swap3A_277 = vector.shape_cast %swap3A_276 : vector<1x16xf32> to vector<16xf32>
    %swap3A_278 = vector.shape_cast %broadcast_in_dim3A_272 : vector<16xf32> to vector<1x16xf32>
    tpu.vector_store %arg8[%swap3A_274, %swap3A_275], %swap3A_278 {strides = array<i32>} : memref<8x128xf32, #tpu.memory_space<vmem>>, vector<1x16xf32>,
    %broadcast_in_dim3A_279 = arith.constant 0.000000e+00 : f32
    %broadcast_in_dim3A_280 = vector.broadcast %broadcast_in_dim3A_279 : f32 to vector<16xf32>
    %swap3A_281 = arith.constant 4 : i32
    %swap3A_282 = arith.index_cast %swap3A_281 : i32 to index
    %swap3A_283 = arith.constant 48 : index
    %swap3A_284 = tpu.vector_load %arg8[%swap3A_282, %swap3A_283] {strides = array<i32>} : memref<8x128xf32, #tpu.memory_space<vmem>>, vector<1x16xf32>,
    %swap3A_285 = vector.shape_cast %swap3A_284 : vector<1x16xf32> to vector<16xf32>
    %swap3A_286 = vector.shape_cast %broadcast_in_dim3A_280 : vector<16xf32> to vector<1x16xf32>
    tpu.vector_store %arg8[%swap3A_282, %swap3A_283], %swap3A_286 {strides = array<i32>} : memref<8x128xf32, #tpu.memory_space<vmem>>, vector<1x16xf32>,
    %broadcast_in_dim3A_287 = arith.constant 0.000000e+00 : f32
    %broadcast_in_dim3A_288 = vector.broadcast %broadcast_in_dim3A_287 : f32 to vector<16xf32>
    %swap3A_289 = arith.constant 4 : i32
    %swap3A_290 = arith.index_cast %swap3A_289 : i32 to index
    %swap3A_291 = arith.constant 64 : index
    %swap3A_292 = tpu.vector_load %arg8[%swap3A_290, %swap3A_291] {strides = array<i32>} : memref<8x128xf32, #tpu.memory_space<vmem>>, vector<1x16xf32>,
    %swap3A_293 = vector.shape_cast %swap3A_292 : vector<1x16xf32> to vector<16xf32>
    %swap3A_294 = vector.shape_cast %broadcast_in_dim3A_288 : vector<16xf32> to vector<1x16xf32>
    tpu.vector_store %arg8[%swap3A_290, %swap3A_291], %swap3A_294 {strides = array<i32>} : memref<8x128xf32, #tpu.memory_space<vmem>>, vector<1x16xf32>,
    %broadcast_in_dim3A_295 = arith.constant 0.000000e+00 : f32
    %broadcast_in_dim3A_296 = vector.broadcast %broadcast_in_dim3A_295 : f32 to vector<16xf32>
    %swap3A_297 = arith.constant 4 : i32
    %swap3A_298 = arith.index_cast %swap3A_297 : i32 to index
    %swap3A_299 = arith.constant 80 : index
    %swap3A_300 = tpu.vector_load %arg8[%swap3A_298, %swap3A_299] {strides = array<i32>} : memref<8x128xf32, #tpu.memory_space<vmem>>, vector<1x16xf32>,
    %swap3A_301 = vector.shape_cast %swap3A_300 : vector<1x16xf32> to vector<16xf32>
    %swap3A_302 = vector.shape_cast %broadcast_in_dim3A_296 : vector<16xf32> to vector<1x16xf32>
    tpu.vector_store %arg8[%swap3A_298, %swap3A_299], %swap3A_302 {strides = array<i32>} : memref<8x128xf32, #tpu.memory_space<vmem>>, vector<1x16xf32>,
    %broadcast_in_dim3A_303 = arith.constant 0.000000e+00 : f32
    %broadcast_in_dim3A_304 = vector.broadcast %broadcast_in_dim3A_303 : f32 to vector<16xf32>
    %swap3A_305 = arith.constant 4 : i32
    %swap3A_306 = arith.index_cast %swap3A_305 : i32 to index
    %swap3A_307 = arith.constant 96 : index
    %swap3A_308 = tpu.vector_load %arg8[%swap3A_306, %swap3A_307] {strides = array<i32>} : memref<8x128xf32, #tpu.memory_space<vmem>>, vector<1x16xf32>,
    %swap3A_309 = vector.shape_cast %swap3A_308 : vector<1x16xf32> to vector<16xf32>
    %swap3A_310 = vector.shape_cast %broadcast_in_dim3A_304 : vector<16xf32> to vector<1x16xf32>
    tpu.vector_store %arg8[%swap3A_306, %swap3A_307], %swap3A_310 {strides = array<i32>} : memref<8x128xf32, #tpu.memory_space<vmem>>, vector<1x16xf32>,
    %broadcast_in_dim3A_311 = arith.constant 0.000000e+00 : f32
    %broadcast_in_dim3A_312 = vector.broadcast %broadcast_in_dim3A_311 : f32 to vector<16xf32>
    %swap3A_313 = arith.constant 4 : i32
    %swap3A_314 = arith.index_cast %swap3A_313 : i32 to index
    %swap3A_315 = arith.constant 112 : index
    %swap3A_316 = tpu.vector_load %arg8[%swap3A_314, %swap3A_315] {strides = array<i32>} : memref<8x128xf32, #tpu.memory_space<vmem>>, vector<1x16xf32>,
    %swap3A_317 = vector.shape_cast %swap3A_316 : vector<1x16xf32> to vector<16xf32>
    %swap3A_318 = vector.shape_cast %broadcast_in_dim3A_312 : vector<16xf32> to vector<1x16xf32>
    tpu.vector_store %arg8[%swap3A_314, %swap3A_315], %swap3A_318 {strides = array<i32>} : memref<8x128xf32, #tpu.memory_space<vmem>>, vector<1x16xf32>,
    %broadcast_in_dim3A_319 = arith.constant 0.000000e+00 : f32
    %broadcast_in_dim3A_320 = vector.broadcast %broadcast_in_dim3A_319 : f32 to vector<16xf32>
    %swap3A_321 = arith.constant 5 : i32
    %swap3A_322 = arith.index_cast %swap3A_321 : i32 to index
    %swap3A_323 = arith.constant 0 : index
    %swap3A_324 = tpu.vector_load %arg8[%swap3A_322, %swap3A_323] {strides = array<i32>} : memref<8x128xf32, #tpu.memory_space<vmem>>, vector<1x16xf32>,
    %swap3A_325 = vector.shape_cast %swap3A_324 : vector<1x16xf32> to vector<16xf32>
    %swap3A_326 = vector.shape_cast %broadcast_in_dim3A_320 : vector<16xf32> to vector<1x16xf32>
    tpu.vector_store %arg8[%swap3A_322, %swap3A_323], %swap3A_326 {strides = array<i32>} : memref<8x128xf32, #tpu.memory_space<vmem>>, vector<1x16xf32>,
    %broadcast_in_dim3A_327 = arith.constant 0.000000e+00 : f32
    %broadcast_in_dim3A_328 = vector.broadcast %broadcast_in_dim3A_327 : f32 to vector<16xf32>
    %swap3A_329 = arith.constant 5 : i32
    %swap3A_330 = arith.index_cast %swap3A_329 : i32 to index
    %swap3A_331 = arith.constant 16 : index
    %swap3A_332 = tpu.vector_load %arg8[%swap3A_330, %swap3A_331] {strides = array<i32>} : memref<8x128xf32, #tpu.memory_space<vmem>>, vector<1x16xf32>,
    %swap3A_333 = vector.shape_cast %swap3A_332 : vector<1x16xf32> to vector<16xf32>
    %swap3A_334 = vector.shape_cast %broadcast_in_dim3A_328 : vector<16xf32> to vector<1x16xf32>
    tpu.vector_store %arg8[%swap3A_330, %swap3A_331], %swap3A_334 {strides = array<i32>} : memref<8x128xf32, #tpu.memory_space<vmem>>, vector<1x16xf32>,
    %broadcast_in_dim3A_335 = arith.constant 0.000000e+00 : f32
    %broadcast_in_dim3A_336 = vector.broadcast %broadcast_in_dim3A_335 : f32 to vector<16xf32>
    %swap3A_337 = arith.constant 5 : i32
    %swap3A_338 = arith.index_cast %swap3A_337 : i32 to index
    %swap3A_339 = arith.constant 32 : index
    %swap3A_340 = tpu.vector_load %arg8[%swap3A_338, %swap3A_339] {strides = array<i32>} : memref<8x128xf32, #tpu.memory_space<vmem>>, vector<1x16xf32>,
    %swap3A_341 = vector.shape_cast %swap3A_340 : vector<1x16xf32> to vector<16xf32>
    %swap3A_342 = vector.shape_cast %broadcast_in_dim3A_336 : vector<16xf32> to vector<1x16xf32>
    tpu.vector_store %arg8[%swap3A_338, %swap3A_339], %swap3A_342 {strides = array<i32>} : memref<8x128xf32, #tpu.memory_space<vmem>>, vector<1x16xf32>,
    %broadcast_in_dim3A_343 = arith.constant 0.000000e+00 : f32
    %broadcast_in_dim3A_344 = vector.broadcast %broadcast_in_dim3A_343 : f32 to vector<16xf32>
    %swap3A_345 = arith.constant 5 : i32
    %swap3A_346 = arith.index_cast %swap3A_345 : i32 to index
    %swap3A_347 = arith.constant 48 : index
    %swap3A_348 = tpu.vector_load %arg8[%swap3A_346, %swap3A_347] {strides = array<i32>} : memref<8x128xf32, #tpu.memory_space<vmem>>, vector<1x16xf32>,
    %swap3A_349 = vector.shape_cast %swap3A_348 : vector<1x16xf32> to vector<16xf32>
    %swap3A_350 = vector.shape_cast %broadcast_in_dim3A_344 : vector<16xf32> to vector<1x16xf32>
    tpu.vector_store %arg8[%swap3A_346, %swap3A_347], %swap3A_350 {strides = array<i32>} : memref<8x128xf32, #tpu.memory_space<vmem>>, vector<1x16xf32>,
    %broadcast_in_dim3A_351 = arith.constant 0.000000e+00 : f32
    %broadcast_in_dim3A_352 = vector.broadcast %broadcast_in_dim3A_351 : f32 to vector<16xf32>
    %swap3A_353 = arith.constant 5 : i32
    %swap3A_354 = arith.index_cast %swap3A_353 : i32 to index
    %swap3A_355 = arith.constant 64 : index
    %swap3A_356 = tpu.vector_load %arg8[%swap3A_354, %swap3A_355] {strides = array<i32>} : memref<8x128xf32, #tpu.memory_space<vmem>>, vector<1x16xf32>,
    %swap3A_357 = vector.shape_cast %swap3A_356 : vector<1x16xf32> to vector<16xf32>
    %swap3A_358 = vector.shape_cast %broadcast_in_dim3A_352 : vector<16xf32> to vector<1x16xf32>
    tpu.vector_store %arg8[%swap3A_354, %swap3A_355], %swap3A_358 {strides = array<i32>} : memref<8x128xf32, #tpu.memory_space<vmem>>, vector<1x16xf32>,
    %broadcast_in_dim3A_359 = arith.constant 0.000000e+00 : f32
    %broadcast_in_dim3A_360 = vector.broadcast %broadcast_in_dim3A_359 : f32 to vector<16xf32>
    %swap3A_361 = arith.constant 5 : i32
    %swap3A_362 = arith.index_cast %swap3A_361 : i32 to index
    %swap3A_363 = arith.constant 80 : index
    %swap3A_364 = tpu.vector_load %arg8[%swap3A_362, %swap3A_363] {strides = array<i32>} : memref<8x128xf32, #tpu.memory_space<vmem>>, vector<1x16xf32>,
    %swap3A_365 = vector.shape_cast %swap3A_364 : vector<1x16xf32> to vector<16xf32>
    %swap3A_366 = vector.shape_cast %broadcast_in_dim3A_360 : vector<16xf32> to vector<1x16xf32>
    tpu.vector_store %arg8[%swap3A_362, %swap3A_363], %swap3A_366 {strides = array<i32>} : memref<8x128xf32, #tpu.memory_space<vmem>>, vector<1x16xf32>,
    %broadcast_in_dim3A_367 = arith.constant 0.000000e+00 : f32
    %broadcast_in_dim3A_368 = vector.broadcast %broadcast_in_dim3A_367 : f32 to vector<16xf32>
    %swap3A_369 = arith.constant 5 : i32
    %swap3A_370 = arith.index_cast %swap3A_369 : i32 to index
    %swap3A_371 = arith.constant 96 : index
    %swap3A_372 = tpu.vector_load %arg8[%swap3A_370, %swap3A_371] {strides = array<i32>} : memref<8x128xf32, #tpu.memory_space<vmem>>, vector<1x16xf32>,
    %swap3A_373 = vector.shape_cast %swap3A_372 : vector<1x16xf32> to vector<16xf32>
    %swap3A_374 = vector.shape_cast %broadcast_in_dim3A_368 : vector<16xf32> to vector<1x16xf32>
    tpu.vector_store %arg8[%swap3A_370, %swap3A_371], %swap3A_374 {strides = array<i32>} : memref<8x128xf32, #tpu.memory_space<vmem>>, vector<1x16xf32>,
    %broadcast_in_dim3A_375 = arith.constant 0.000000e+00 : f32
    %broadcast_in_dim3A_376 = vector.broadcast %broadcast_in_dim3A_375 : f32 to vector<16xf32>
    %swap3A_377 = arith.constant 5 : i32
    %swap3A_378 = arith.index_cast %swap3A_377 : i32 to index
    %swap3A_379 = arith.constant 112 : index
    %swap3A_380 = tpu.vector_load %arg8[%swap3A_378, %swap3A_379] {strides = array<i32>} : memref<8x128xf32, #tpu.memory_space<vmem>>, vector<1x16xf32>,
    %swap3A_381 = vector.shape_cast %swap3A_380 : vector<1x16xf32> to vector<16xf32>
    %swap3A_382 = vector.shape_cast %broadcast_in_dim3A_376 : vector<16xf32> to vector<1x16xf32>
    tpu.vector_store %arg8[%swap3A_378, %swap3A_379], %swap3A_382 {strides = array<i32>} : memref<8x128xf32, #tpu.memory_space<vmem>>, vector<1x16xf32>,
    %broadcast_in_dim3A_383 = arith.constant 0.000000e+00 : f32
    %broadcast_in_dim3A_384 = vector.broadcast %broadcast_in_dim3A_383 : f32 to vector<16xf32>
    %swap3A_385 = arith.constant 6 : i32
    %swap3A_386 = arith.index_cast %swap3A_385 : i32 to index
    %swap3A_387 = arith.constant 0 : index
    %swap3A_388 = tpu.vector_load %arg8[%swap3A_386, %swap3A_387] {strides = array<i32>} : memref<8x128xf32, #tpu.memory_space<vmem>>, vector<1x16xf32>,
    %swap3A_389 = vector.shape_cast %swap3A_388 : vector<1x16xf32> to vector<16xf32>
    %swap3A_390 = vector.shape_cast %broadcast_in_dim3A_384 : vector<16xf32> to vector<1x16xf32>
    tpu.vector_store %arg8[%swap3A_386, %swap3A_387], %swap3A_390 {strides = array<i32>} : memref<8x128xf32, #tpu.memory_space<vmem>>, vector<1x16xf32>,
    %broadcast_in_dim3A_391 = arith.constant 0.000000e+00 : f32
    %broadcast_in_dim3A_392 = vector.broadcast %broadcast_in_dim3A_391 : f32 to vector<16xf32>
    %swap3A_393 = arith.constant 6 : i32
    %swap3A_394 = arith.index_cast %swap3A_393 : i32 to index
    %swap3A_395 = arith.constant 16 : index
    %swap3A_396 = tpu.vector_load %arg8[%swap3A_394, %swap3A_395] {strides = array<i32>} : memref<8x128xf32, #tpu.memory_space<vmem>>, vector<1x16xf32>,
    %swap3A_397 = vector.shape_cast %swap3A_396 : vector<1x16xf32> to vector<16xf32>
    %swap3A_398 = vector.shape_cast %broadcast_in_dim3A_392 : vector<16xf32> to vector<1x16xf32>
    tpu.vector_store %arg8[%swap3A_394, %swap3A_395], %swap3A_398 {strides = array<i32>} : memref<8x128xf32, #tpu.memory_space<vmem>>, vector<1x16xf32>,
    %broadcast_in_dim3A_399 = arith.constant 0.000000e+00 : f32
    %broadcast_in_dim3A_400 = vector.broadcast %broadcast_in_dim3A_399 : f32 to vector<16xf32>
    %swap3A_401 = arith.constant 6 : i32
    %swap3A_402 = arith.index_cast %swap3A_401 : i32 to index
    %swap3A_403 = arith.constant 32 : index
    %swap3A_404 = tpu.vector_load %arg8[%swap3A_402, %swap3A_403] {strides = array<i32>} : memref<8x128xf32, #tpu.memory_space<vmem>>, vector<1x16xf32>,
    %swap3A_405 = vector.shape_cast %swap3A_404 : vector<1x16xf32> to vector<16xf32>
    %swap3A_406 = vector.shape_cast %broadcast_in_dim3A_400 : vector<16xf32> to vector<1x16xf32>
    tpu.vector_store %arg8[%swap3A_402, %swap3A_403], %swap3A_406 {strides = array<i32>} : memref<8x128xf32, #tpu.memory_space<vmem>>, vector<1x16xf32>,
    %broadcast_in_dim3A_407 = arith.constant 0.000000e+00 : f32
    %broadcast_in_dim3A_408 = vector.broadcast %broadcast_in_dim3A_407 : f32 to vector<16xf32>
    %swap3A_409 = arith.constant 6 : i32
    %swap3A_410 = arith.index_cast %swap3A_409 : i32 to index
    %swap3A_411 = arith.constant 48 : index
    %swap3A_412 = tpu.vector_load %arg8[%swap3A_410, %swap3A_411] {strides = array<i32>} : memref<8x128xf32, #tpu.memory_space<vmem>>, vector<1x16xf32>,
    %swap3A_413 = vector.shape_cast %swap3A_412 : vector<1x16xf32> to vector<16xf32>
    %swap3A_414 = vector.shape_cast %broadcast_in_dim3A_408 : vector<16xf32> to vector<1x16xf32>
    tpu.vector_store %arg8[%swap3A_410, %swap3A_411], %swap3A_414 {strides = array<i32>} : memref<8x128xf32, #tpu.memory_space<vmem>>, vector<1x16xf32>,
    %broadcast_in_dim3A_415 = arith.constant 0.000000e+00 : f32
    %broadcast_in_dim3A_416 = vector.broadcast %broadcast_in_dim3A_415 : f32 to vector<16xf32>
    %swap3A_417 = arith.constant 6 : i32
    %swap3A_418 = arith.index_cast %swap3A_417 : i32 to index
    %swap3A_419 = arith.constant 64 : index
    %swap3A_420 = tpu.vector_load %arg8[%swap3A_418, %swap3A_419] {strides = array<i32>} : memref<8x128xf32, #tpu.memory_space<vmem>>, vector<1x16xf32>,
    %swap3A_421 = vector.shape_cast %swap3A_420 : vector<1x16xf32> to vector<16xf32>
    %swap3A_422 = vector.shape_cast %broadcast_in_dim3A_416 : vector<16xf32> to vector<1x16xf32>
    tpu.vector_store %arg8[%swap3A_418, %swap3A_419], %swap3A_422 {strides = array<i32>} : memref<8x128xf32, #tpu.memory_space<vmem>>, vector<1x16xf32>,
    %broadcast_in_dim3A_423 = arith.constant 0.000000e+00 : f32
    %broadcast_in_dim3A_424 = vector.broadcast %broadcast_in_dim3A_423 : f32 to vector<16xf32>
    %swap3A_425 = arith.constant 6 : i32
    %swap3A_426 = arith.index_cast %swap3A_425 : i32 to index
    %swap3A_427 = arith.constant 80 : index
    %swap3A_428 = tpu.vector_load %arg8[%swap3A_426, %swap3A_427] {strides = array<i32>} : memref<8x128xf32, #tpu.memory_space<vmem>>, vector<1x16xf32>,
    %swap3A_429 = vector.shape_cast %swap3A_428 : vector<1x16xf32> to vector<16xf32>
    %swap3A_430 = vector.shape_cast %broadcast_in_dim3A_424 : vector<16xf32> to vector<1x16xf32>
    tpu.vector_store %arg8[%swap3A_426, %swap3A_427], %swap3A_430 {strides = array<i32>} : memref<8x128xf32, #tpu.memory_space<vmem>>, vector<1x16xf32>,
    %broadcast_in_dim3A_431 = arith.constant 0.000000e+00 : f32
    %broadcast_in_dim3A_432 = vector.broadcast %broadcast_in_dim3A_431 : f32 to vector<16xf32>
    %swap3A_433 = arith.constant 6 : i32
    %swap3A_434 = arith.index_cast %swap3A_433 : i32 to index
    %swap3A_435 = arith.constant 96 : index
    %swap3A_436 = tpu.vector_load %arg8[%swap3A_434, %swap3A_435] {strides = array<i32>} : memref<8x128xf32, #tpu.memory_space<vmem>>, vector<1x16xf32>,
    %swap3A_437 = vector.shape_cast %swap3A_436 : vector<1x16xf32> to vector<16xf32>
    %swap3A_438 = vector.shape_cast %broadcast_in_dim3A_432 : vector<16xf32> to vector<1x16xf32>
    tpu.vector_store %arg8[%swap3A_434, %swap3A_435], %swap3A_438 {strides = array<i32>} : memref<8x128xf32, #tpu.memory_space<vmem>>, vector<1x16xf32>,
    %broadcast_in_dim3A_439 = arith.constant 0.000000e+00 : f32
    %broadcast_in_dim3A_440 = vector.broadcast %broadcast_in_dim3A_439 : f32 to vector<16xf32>
    %swap3A_441 = arith.constant 6 : i32
    %swap3A_442 = arith.index_cast %swap3A_441 : i32 to index
    %swap3A_443 = arith.constant 112 : index
    %swap3A_444 = tpu.vector_load %arg8[%swap3A_442, %swap3A_443] {strides = array<i32>} : memref<8x128xf32, #tpu.memory_space<vmem>>, vector<1x16xf32>,
    %swap3A_445 = vector.shape_cast %swap3A_444 : vector<1x16xf32> to vector<16xf32>
    %swap3A_446 = vector.shape_cast %broadcast_in_dim3A_440 : vector<16xf32> to vector<1x16xf32>
    tpu.vector_store %arg8[%swap3A_442, %swap3A_443], %swap3A_446 {strides = array<i32>} : memref<8x128xf32, #tpu.memory_space<vmem>>, vector<1x16xf32>,
    %broadcast_in_dim3A_447 = arith.constant 0.000000e+00 : f32
    %broadcast_in_dim3A_448 = vector.broadcast %broadcast_in_dim3A_447 : f32 to vector<16xf32>
    %swap3A_449 = arith.constant 7 : i32
    %swap3A_450 = arith.index_cast %swap3A_449 : i32 to index
    %swap3A_451 = arith.constant 0 : index
    %swap3A_452 = tpu.vector_load %arg8[%swap3A_450, %swap3A_451] {strides = array<i32>} : memref<8x128xf32, #tpu.memory_space<vmem>>, vector<1x16xf32>,
    %swap3A_453 = vector.shape_cast %swap3A_452 : vector<1x16xf32> to vector<16xf32>
    %swap3A_454 = vector.shape_cast %broadcast_in_dim3A_448 : vector<16xf32> to vector<1x16xf32>
    tpu.vector_store %arg8[%swap3A_450, %swap3A_451], %swap3A_454 {strides = array<i32>} : memref<8x128xf32, #tpu.memory_space<vmem>>, vector<1x16xf32>,
    %broadcast_in_dim3A_455 = arith.constant 0.000000e+00 : f32
    %broadcast_in_dim3A_456 = vector.broadcast %broadcast_in_dim3A_455 : f32 to vector<16xf32>
    %swap3A_457 = arith.constant 7 : i32
    %swap3A_458 = arith.index_cast %swap3A_457 : i32 to index
    %swap3A_459 = arith.constant 16 : index
    %swap3A_460 = tpu.vector_load %arg8[%swap3A_458, %swap3A_459] {strides = array<i32>} : memref<8x128xf32, #tpu.memory_space<vmem>>, vector<1x16xf32>,
    %swap3A_461 = vector.shape_cast %swap3A_460 : vector<1x16xf32> to vector<16xf32>
    %swap3A_462 = vector.shape_cast %broadcast_in_dim3A_456 : vector<16xf32> to vector<1x16xf32>
    tpu.vector_store %arg8[%swap3A_458, %swap3A_459], %swap3A_462 {strides = array<i32>} : memref<8x128xf32, #tpu.memory_space<vmem>>, vector<1x16xf32>,
    %broadcast_in_dim3A_463 = arith.constant 0.000000e+00 : f32
    %broadcast_in_dim3A_464 = vector.broadcast %broadcast_in_dim3A_463 : f32 to vector<16xf32>
    %swap3A_465 = arith.constant 7 : i32
    %swap3A_466 = arith.index_cast %swap3A_465 : i32 to index
    %swap3A_467 = arith.constant 32 : index
    %swap3A_468 = tpu.vector_load %arg8[%swap3A_466, %swap3A_467] {strides = array<i32>} : memref<8x128xf32, #tpu.memory_space<vmem>>, vector<1x16xf32>,
    %swap3A_469 = vector.shape_cast %swap3A_468 : vector<1x16xf32> to vector<16xf32>
    %swap3A_470 = vector.shape_cast %broadcast_in_dim3A_464 : vector<16xf32> to vector<1x16xf32>
    tpu.vector_store %arg8[%swap3A_466, %swap3A_467], %swap3A_470 {strides = array<i32>} : memref<8x128xf32, #tpu.memory_space<vmem>>, vector<1x16xf32>,
    %broadcast_in_dim3A_471 = arith.constant 0.000000e+00 : f32
    %broadcast_in_dim3A_472 = vector.broadcast %broadcast_in_dim3A_471 : f32 to vector<16xf32>
    %swap3A_473 = arith.constant 7 : i32
    %swap3A_474 = arith.index_cast %swap3A_473 : i32 to index
    %swap3A_475 = arith.constant 48 : index
    %swap3A_476 = tpu.vector_load %arg8[%swap3A_474, %swap3A_475] {strides = array<i32>} : memref<8x128xf32, #tpu.memory_space<vmem>>, vector<1x16xf32>,
    %swap3A_477 = vector.shape_cast %swap3A_476 : vector<1x16xf32> to vector<16xf32>
    %swap3A_478 = vector.shape_cast %broadcast_in_dim3A_472 : vector<16xf32> to vector<1x16xf32>
    tpu.vector_store %arg8[%swap3A_474, %swap3A_475], %swap3A_478 {strides = array<i32>} : memref<8x128xf32, #tpu.memory_space<vmem>>, vector<1x16xf32>,
    %broadcast_in_dim3A_479 = arith.constant 0.000000e+00 : f32
    %broadcast_in_dim3A_480 = vector.broadcast %broadcast_in_dim3A_479 : f32 to vector<16xf32>
    %swap3A_481 = arith.constant 7 : i32
    %swap3A_482 = arith.index_cast %swap3A_481 : i32 to index
    %swap3A_483 = arith.constant 64 : index
    %swap3A_484 = tpu.vector_load %arg8[%swap3A_482, %swap3A_483] {strides = array<i32>} : memref<8x128xf32, #tpu.memory_space<vmem>>, vector<1x16xf32>,
    %swap3A_485 = vector.shape_cast %swap3A_484 : vector<1x16xf32> to vector<16xf32>
    %swap3A_486 = vector.shape_cast %broadcast_in_dim3A_480 : vector<16xf32> to vector<1x16xf32>
    tpu.vector_store %arg8[%swap3A_482, %swap3A_483], %swap3A_486 {strides = array<i32>} : memref<8x128xf32, #tpu.memory_space<vmem>>, vector<1x16xf32>,
    %broadcast_in_dim3A_487 = arith.constant 0.000000e+00 : f32
    %broadcast_in_dim3A_488 = vector.broadcast %broadcast_in_dim3A_487 : f32 to vector<16xf32>
    %swap3A_489 = arith.constant 7 : i32
    %swap3A_490 = arith.index_cast %swap3A_489 : i32 to index
    %swap3A_491 = arith.constant 80 : index
    %swap3A_492 = tpu.vector_load %arg8[%swap3A_490, %swap3A_491] {strides = array<i32>} : memref<8x128xf32, #tpu.memory_space<vmem>>, vector<1x16xf32>,
    %swap3A_493 = vector.shape_cast %swap3A_492 : vector<1x16xf32> to vector<16xf32>
    %swap3A_494 = vector.shape_cast %broadcast_in_dim3A_488 : vector<16xf32> to vector<1x16xf32>
    tpu.vector_store %arg8[%swap3A_490, %swap3A_491], %swap3A_494 {strides = array<i32>} : memref<8x128xf32, #tpu.memory_space<vmem>>, vector<1x16xf32>,
    %broadcast_in_dim3A_495 = arith.constant 0.000000e+00 : f32
    %broadcast_in_dim3A_496 = vector.broadcast %broadcast_in_dim3A_495 : f32 to vector<16xf32>
    %swap3A_497 = arith.constant 7 : i32
    %swap3A_498 = arith.index_cast %swap3A_497 : i32 to index
    %swap3A_499 = arith.constant 96 : index
    %swap3A_500 = tpu.vector_load %arg8[%swap3A_498, %swap3A_499] {strides = array<i32>} : memref<8x128xf32, #tpu.memory_space<vmem>>, vector<1x16xf32>,
    %swap3A_501 = vector.shape_cast %swap3A_500 : vector<1x16xf32> to vector<16xf32>
    %swap3A_502 = vector.shape_cast %broadcast_in_dim3A_496 : vector<16xf32> to vector<1x16xf32>
    tpu.vector_store %arg8[%swap3A_498, %swap3A_499], %swap3A_502 {strides = array<i32>} : memref<8x128xf32, #tpu.memory_space<vmem>>, vector<1x16xf32>,
    %broadcast_in_dim3A_503 = arith.constant 0.000000e+00 : f32
    %broadcast_in_dim3A_504 = vector.broadcast %broadcast_in_dim3A_503 : f32 to vector<16xf32>
    %swap3A_505 = arith.constant 7 : i32
    %swap3A_506 = arith.index_cast %swap3A_505 : i32 to index
    %swap3A_507 = arith.constant 112 : index
    %swap3A_508 = tpu.vector_load %arg8[%swap3A_506, %swap3A_507] {strides = array<i32>} : memref<8x128xf32, #tpu.memory_space<vmem>>, vector<1x16xf32>,
    %swap3A_509 = vector.shape_cast %swap3A_508 : vector<1x16xf32> to vector<16xf32>
    %swap3A_510 = vector.shape_cast %broadcast_in_dim3A_504 : vector<16xf32> to vector<1x16xf32>
    tpu.vector_store %arg8[%swap3A_506, %swap3A_507], %swap3A_510 {strides = array<i32>} : memref<8x128xf32, #tpu.memory_space<vmem>>, vector<1x16xf32>,
    %mul3A_511 = arith.constant 64 : i32
    %mul3A_512 = arith.muli %arg1, %mul3A_511 : i32
    %add3A_513 = arith.constant 0 : i32
    %add3A_514 = arith.addi %mul3A_512, %add3A_513 : i32
    "tpu.region"() ({
      %run_scoped3A = tpu.sem_alloc : memref<!tpu.dma_semaphore, #tpu.memory_space<semaphore_mem>>
      %dma_start3A_560 = arith.constant 0 : i32
      %dma_start3A_561 = tpu.memref_slice %arg9[%add3A_514, %dma_start3A_560] : memref<1032x128xf32, #tpu.memory_space<vmem_shared>> -> memref<8x128xf32, #tpu.memory_space<vmem_shared>>
      %dma_start3A_562 = arith.constant 0 : i32
      %dma_start3A_563 = tpu.memref_slice %arg9[%add3A_514, %dma_start3A_562] : memref<1032x128xf32, #tpu.memory_space<vmem_shared>> -> memref<8x128xf32, #tpu.memory_space<vmem_shared>>
      tpu.enqueue_dma source(%arg8 : memref<8x128xf32, #tpu.memory_space<vmem>>) target(%dma_start3A_563 : memref<8x128xf32, #tpu.memory_space<vmem_shared>>) target_semaphore(%run_scoped3A : memref<!tpu.dma_semaphore, #tpu.memory_space<semaphore_mem>>)
      %dma_wait3A = arith.constant 0 : i32
      %dma_wait3A_564 = tpu.memref_slice %arg9[%add3A_514, %dma_wait3A] : memref<1032x128xf32, #tpu.memory_space<vmem_shared>> -> memref<8x128xf32, #tpu.memory_space<vmem_shared>>
      %dma_wait3A_565 = arith.constant 0 : i32
      %dma_wait3A_566 = tpu.memref_slice %arg9[%add3A_514, %dma_wait3A_565] : memref<1032x128xf32, #tpu.memory_space<vmem_shared>> -> memref<8x128xf32, #tpu.memory_space<vmem_shared>>
      tpu.wait_dma2 semaphore(%run_scoped3A : memref<!tpu.dma_semaphore, #tpu.memory_space<semaphore_mem>>) src(%arg8 : memref<8x128xf32, #tpu.memory_space<vmem>>) dst(%dma_wait3A_566 : memref<8x128xf32, #tpu.memory_space<vmem_shared>>)
      tpu.yield
    }) : () -> ()
    %mul3A_515 = arith.constant 64 : i32
    %mul3A_516 = arith.muli %arg1, %mul3A_515 : i32
    %add3A_517 = arith.constant 8 : i32
    %add3A_518 = arith.addi %mul3A_516, %add3A_517 : i32
    "tpu.region"() ({
      %run_scoped3A = tpu.sem_alloc : memref<!tpu.dma_semaphore, #tpu.memory_space<semaphore_mem>>
      %dma_start3A_560 = arith.constant 0 : i32
      %dma_start3A_561 = tpu.memref_slice %arg9[%add3A_518, %dma_start3A_560] : memref<1032x128xf32, #tpu.memory_space<vmem_shared>> -> memref<8x128xf32, #tpu.memory_space<vmem_shared>>
      %dma_start3A_562 = arith.constant 0 : i32
      %dma_start3A_563 = tpu.memref_slice %arg9[%add3A_518, %dma_start3A_562] : memref<1032x128xf32, #tpu.memory_space<vmem_shared>> -> memref<8x128xf32, #tpu.memory_space<vmem_shared>>
      tpu.enqueue_dma source(%arg8 : memref<8x128xf32, #tpu.memory_space<vmem>>) target(%dma_start3A_563 : memref<8x128xf32, #tpu.memory_space<vmem_shared>>) target_semaphore(%run_scoped3A : memref<!tpu.dma_semaphore, #tpu.memory_space<semaphore_mem>>)
      %dma_wait3A = arith.constant 0 : i32
      %dma_wait3A_564 = tpu.memref_slice %arg9[%add3A_518, %dma_wait3A] : memref<1032x128xf32, #tpu.memory_space<vmem_shared>> -> memref<8x128xf32, #tpu.memory_space<vmem_shared>>
      %dma_wait3A_565 = arith.constant 0 : i32
      %dma_wait3A_566 = tpu.memref_slice %arg9[%add3A_518, %dma_wait3A_565] : memref<1032x128xf32, #tpu.memory_space<vmem_shared>> -> memref<8x128xf32, #tpu.memory_space<vmem_shared>>
      tpu.wait_dma2 semaphore(%run_scoped3A : memref<!tpu.dma_semaphore, #tpu.memory_space<semaphore_mem>>) src(%arg8 : memref<8x128xf32, #tpu.memory_space<vmem>>) dst(%dma_wait3A_566 : memref<8x128xf32, #tpu.memory_space<vmem_shared>>)
      tpu.yield
    }) : () -> ()
    %mul3A_519 = arith.constant 64 : i32
    %mul3A_520 = arith.muli %arg1, %mul3A_519 : i32
    %add3A_521 = arith.constant 16 : i32
    %add3A_522 = arith.addi %mul3A_520, %add3A_521 : i32
    "tpu.region"() ({
      %run_scoped3A = tpu.sem_alloc : memref<!tpu.dma_semaphore, #tpu.memory_space<semaphore_mem>>
      %dma_start3A_560 = arith.constant 0 : i32
      %dma_start3A_561 = tpu.memref_slice %arg9[%add3A_522, %dma_start3A_560] : memref<1032x128xf32, #tpu.memory_space<vmem_shared>> -> memref<8x128xf32, #tpu.memory_space<vmem_shared>>
      %dma_start3A_562 = arith.constant 0 : i32
      %dma_start3A_563 = tpu.memref_slice %arg9[%add3A_522, %dma_start3A_562] : memref<1032x128xf32, #tpu.memory_space<vmem_shared>> -> memref<8x128xf32, #tpu.memory_space<vmem_shared>>
      tpu.enqueue_dma source(%arg8 : memref<8x128xf32, #tpu.memory_space<vmem>>) target(%dma_start3A_563 : memref<8x128xf32, #tpu.memory_space<vmem_shared>>) target_semaphore(%run_scoped3A : memref<!tpu.dma_semaphore, #tpu.memory_space<semaphore_mem>>)
      %dma_wait3A = arith.constant 0 : i32
      %dma_wait3A_564 = tpu.memref_slice %arg9[%add3A_522, %dma_wait3A] : memref<1032x128xf32, #tpu.memory_space<vmem_shared>> -> memref<8x128xf32, #tpu.memory_space<vmem_shared>>
      %dma_wait3A_565 = arith.constant 0 : i32
      %dma_wait3A_566 = tpu.memref_slice %arg9[%add3A_522, %dma_wait3A_565] : memref<1032x128xf32, #tpu.memory_space<vmem_shared>> -> memref<8x128xf32, #tpu.memory_space<vmem_shared>>
      tpu.wait_dma2 semaphore(%run_scoped3A : memref<!tpu.dma_semaphore, #tpu.memory_space<semaphore_mem>>) src(%arg8 : memref<8x128xf32, #tpu.memory_space<vmem>>) dst(%dma_wait3A_566 : memref<8x128xf32, #tpu.memory_space<vmem_shared>>)
      tpu.yield
    }) : () -> ()
    %mul3A_523 = arith.constant 64 : i32
    %mul3A_524 = arith.muli %arg1, %mul3A_523 : i32
    %add3A_525 = arith.constant 24 : i32
    %add3A_526 = arith.addi %mul3A_524, %add3A_525 : i32
    "tpu.region"() ({
      %run_scoped3A = tpu.sem_alloc : memref<!tpu.dma_semaphore, #tpu.memory_space<semaphore_mem>>
      %dma_start3A_560 = arith.constant 0 : i32
      %dma_start3A_561 = tpu.memref_slice %arg9[%add3A_526, %dma_start3A_560] : memref<1032x128xf32, #tpu.memory_space<vmem_shared>> -> memref<8x128xf32, #tpu.memory_space<vmem_shared>>
      %dma_start3A_562 = arith.constant 0 : i32
      %dma_start3A_563 = tpu.memref_slice %arg9[%add3A_526, %dma_start3A_562] : memref<1032x128xf32, #tpu.memory_space<vmem_shared>> -> memref<8x128xf32, #tpu.memory_space<vmem_shared>>
      tpu.enqueue_dma source(%arg8 : memref<8x128xf32, #tpu.memory_space<vmem>>) target(%dma_start3A_563 : memref<8x128xf32, #tpu.memory_space<vmem_shared>>) target_semaphore(%run_scoped3A : memref<!tpu.dma_semaphore, #tpu.memory_space<semaphore_mem>>)
      %dma_wait3A = arith.constant 0 : i32
      %dma_wait3A_564 = tpu.memref_slice %arg9[%add3A_526, %dma_wait3A] : memref<1032x128xf32, #tpu.memory_space<vmem_shared>> -> memref<8x128xf32, #tpu.memory_space<vmem_shared>>
      %dma_wait3A_565 = arith.constant 0 : i32
      %dma_wait3A_566 = tpu.memref_slice %arg9[%add3A_526, %dma_wait3A_565] : memref<1032x128xf32, #tpu.memory_space<vmem_shared>> -> memref<8x128xf32, #tpu.memory_space<vmem_shared>>
      tpu.wait_dma2 semaphore(%run_scoped3A : memref<!tpu.dma_semaphore, #tpu.memory_space<semaphore_mem>>) src(%arg8 : memref<8x128xf32, #tpu.memory_space<vmem>>) dst(%dma_wait3A_566 : memref<8x128xf32, #tpu.memory_space<vmem_shared>>)
      tpu.yield
    }) : () -> ()
    %mul3A_527 = arith.constant 64 : i32
    %mul3A_528 = arith.muli %arg1, %mul3A_527 : i32
    %add3A_529 = arith.constant 32 : i32
    %add3A_530 = arith.addi %mul3A_528, %add3A_529 : i32
    "tpu.region"() ({
      %run_scoped3A = tpu.sem_alloc : memref<!tpu.dma_semaphore, #tpu.memory_space<semaphore_mem>>
      %dma_start3A_560 = arith.constant 0 : i32
      %dma_start3A_561 = tpu.memref_slice %arg9[%add3A_530, %dma_start3A_560] : memref<1032x128xf32, #tpu.memory_space<vmem_shared>> -> memref<8x128xf32, #tpu.memory_space<vmem_shared>>
      %dma_start3A_562 = arith.constant 0 : i32
      %dma_start3A_563 = tpu.memref_slice %arg9[%add3A_530, %dma_start3A_562] : memref<1032x128xf32, #tpu.memory_space<vmem_shared>> -> memref<8x128xf32, #tpu.memory_space<vmem_shared>>
      tpu.enqueue_dma source(%arg8 : memref<8x128xf32, #tpu.memory_space<vmem>>) target(%dma_start3A_563 : memref<8x128xf32, #tpu.memory_space<vmem_shared>>) target_semaphore(%run_scoped3A : memref<!tpu.dma_semaphore, #tpu.memory_space<semaphore_mem>>)
      %dma_wait3A = arith.constant 0 : i32
      %dma_wait3A_564 = tpu.memref_slice %arg9[%add3A_530, %dma_wait3A] : memref<1032x128xf32, #tpu.memory_space<vmem_shared>> -> memref<8x128xf32, #tpu.memory_space<vmem_shared>>
      %dma_wait3A_565 = arith.constant 0 : i32
      %dma_wait3A_566 = tpu.memref_slice %arg9[%add3A_530, %dma_wait3A_565] : memref<1032x128xf32, #tpu.memory_space<vmem_shared>> -> memref<8x128xf32, #tpu.memory_space<vmem_shared>>
      tpu.wait_dma2 semaphore(%run_scoped3A : memref<!tpu.dma_semaphore, #tpu.memory_space<semaphore_mem>>) src(%arg8 : memref<8x128xf32, #tpu.memory_space<vmem>>) dst(%dma_wait3A_566 : memref<8x128xf32, #tpu.memory_space<vmem_shared>>)
      tpu.yield
    }) : () -> ()
    %mul3A_531 = arith.constant 64 : i32
    %mul3A_532 = arith.muli %arg1, %mul3A_531 : i32
    %add3A_533 = arith.constant 40 : i32
    %add3A_534 = arith.addi %mul3A_532, %add3A_533 : i32
    "tpu.region"() ({
      %run_scoped3A = tpu.sem_alloc : memref<!tpu.dma_semaphore, #tpu.memory_space<semaphore_mem>>
      %dma_start3A_560 = arith.constant 0 : i32
      %dma_start3A_561 = tpu.memref_slice %arg9[%add3A_534, %dma_start3A_560] : memref<1032x128xf32, #tpu.memory_space<vmem_shared>> -> memref<8x128xf32, #tpu.memory_space<vmem_shared>>
      %dma_start3A_562 = arith.constant 0 : i32
      %dma_start3A_563 = tpu.memref_slice %arg9[%add3A_534, %dma_start3A_562] : memref<1032x128xf32, #tpu.memory_space<vmem_shared>> -> memref<8x128xf32, #tpu.memory_space<vmem_shared>>
      tpu.enqueue_dma source(%arg8 : memref<8x128xf32, #tpu.memory_space<vmem>>) target(%dma_start3A_563 : memref<8x128xf32, #tpu.memory_space<vmem_shared>>) target_semaphore(%run_scoped3A : memref<!tpu.dma_semaphore, #tpu.memory_space<semaphore_mem>>)
      %dma_wait3A = arith.constant 0 : i32
      %dma_wait3A_564 = tpu.memref_slice %arg9[%add3A_534, %dma_wait3A] : memref<1032x128xf32, #tpu.memory_space<vmem_shared>> -> memref<8x128xf32, #tpu.memory_space<vmem_shared>>
      %dma_wait3A_565 = arith.constant 0 : i32
      %dma_wait3A_566 = tpu.memref_slice %arg9[%add3A_534, %dma_wait3A_565] : memref<1032x128xf32, #tpu.memory_space<vmem_shared>> -> memref<8x128xf32, #tpu.memory_space<vmem_shared>>
      tpu.wait_dma2 semaphore(%run_scoped3A : memref<!tpu.dma_semaphore, #tpu.memory_space<semaphore_mem>>) src(%arg8 : memref<8x128xf32, #tpu.memory_space<vmem>>) dst(%dma_wait3A_566 : memref<8x128xf32, #tpu.memory_space<vmem_shared>>)
      tpu.yield
    }) : () -> ()
    %mul3A_535 = arith.constant 64 : i32
    %mul3A_536 = arith.muli %arg1, %mul3A_535 : i32
    %add3A_537 = arith.constant 48 : i32
    %add3A_538 = arith.addi %mul3A_536, %add3A_537 : i32
    "tpu.region"() ({
      %run_scoped3A = tpu.sem_alloc : memref<!tpu.dma_semaphore, #tpu.memory_space<semaphore_mem>>
      %dma_start3A_560 = arith.constant 0 : i32
      %dma_start3A_561 = tpu.memref_slice %arg9[%add3A_538, %dma_start3A_560] : memref<1032x128xf32, #tpu.memory_space<vmem_shared>> -> memref<8x128xf32, #tpu.memory_space<vmem_shared>>
      %dma_start3A_562 = arith.constant 0 : i32
      %dma_start3A_563 = tpu.memref_slice %arg9[%add3A_538, %dma_start3A_562] : memref<1032x128xf32, #tpu.memory_space<vmem_shared>> -> memref<8x128xf32, #tpu.memory_space<vmem_shared>>
      tpu.enqueue_dma source(%arg8 : memref<8x128xf32, #tpu.memory_space<vmem>>) target(%dma_start3A_563 : memref<8x128xf32, #tpu.memory_space<vmem_shared>>) target_semaphore(%run_scoped3A : memref<!tpu.dma_semaphore, #tpu.memory_space<semaphore_mem>>)
      %dma_wait3A = arith.constant 0 : i32
      %dma_wait3A_564 = tpu.memref_slice %arg9[%add3A_538, %dma_wait3A] : memref<1032x128xf32, #tpu.memory_space<vmem_shared>> -> memref<8x128xf32, #tpu.memory_space<vmem_shared>>
      %dma_wait3A_565 = arith.constant 0 : i32
      %dma_wait3A_566 = tpu.memref_slice %arg9[%add3A_538, %dma_wait3A_565] : memref<1032x128xf32, #tpu.memory_space<vmem_shared>> -> memref<8x128xf32, #tpu.memory_space<vmem_shared>>
      tpu.wait_dma2 semaphore(%run_scoped3A : memref<!tpu.dma_semaphore, #tpu.memory_space<semaphore_mem>>) src(%arg8 : memref<8x128xf32, #tpu.memory_space<vmem>>) dst(%dma_wait3A_566 : memref<8x128xf32, #tpu.memory_space<vmem_shared>>)
      tpu.yield
    }) : () -> ()
    %mul3A_539 = arith.constant 64 : i32
    %mul3A_540 = arith.muli %arg1, %mul3A_539 : i32
    %add3A_541 = arith.constant 56 : i32
    %add3A_542 = arith.addi %mul3A_540, %add3A_541 : i32
    "tpu.region"() ({
      %run_scoped3A = tpu.sem_alloc : memref<!tpu.dma_semaphore, #tpu.memory_space<semaphore_mem>>
      %dma_start3A_560 = arith.constant 0 : i32
      %dma_start3A_561 = tpu.memref_slice %arg9[%add3A_542, %dma_start3A_560] : memref<1032x128xf32, #tpu.memory_space<vmem_shared>> -> memref<8x128xf32, #tpu.memory_space<vmem_shared>>
      %dma_start3A_562 = arith.constant 0 : i32
      %dma_start3A_563 = tpu.memref_slice %arg9[%add3A_542, %dma_start3A_562] : memref<1032x128xf32, #tpu.memory_space<vmem_shared>> -> memref<8x128xf32, #tpu.memory_space<vmem_shared>>
      tpu.enqueue_dma source(%arg8 : memref<8x128xf32, #tpu.memory_space<vmem>>) target(%dma_start3A_563 : memref<8x128xf32, #tpu.memory_space<vmem_shared>>) target_semaphore(%run_scoped3A : memref<!tpu.dma_semaphore, #tpu.memory_space<semaphore_mem>>)
      %dma_wait3A = arith.constant 0 : i32
      %dma_wait3A_564 = tpu.memref_slice %arg9[%add3A_542, %dma_wait3A] : memref<1032x128xf32, #tpu.memory_space<vmem_shared>> -> memref<8x128xf32, #tpu.memory_space<vmem_shared>>
      %dma_wait3A_565 = arith.constant 0 : i32
      %dma_wait3A_566 = tpu.memref_slice %arg9[%add3A_542, %dma_wait3A_565] : memref<1032x128xf32, #tpu.memory_space<vmem_shared>> -> memref<8x128xf32, #tpu.memory_space<vmem_shared>>
      tpu.wait_dma2 semaphore(%run_scoped3A : memref<!tpu.dma_semaphore, #tpu.memory_space<semaphore_mem>>) src(%arg8 : memref<8x128xf32, #tpu.memory_space<vmem>>) dst(%dma_wait3A_566 : memref<8x128xf32, #tpu.memory_space<vmem_shared>>)
      tpu.yield
    }) : () -> ()
    %eq3A = arith.constant 0 : i32
    %eq3A_543 = arith.cmpi eq, %arg1, %eq3A : i32
    %convert_element_type3A = arith.extui %eq3A_543 : i1 to i32
    %cond3A = arith.constant 0 : i32
    %cond3A_544 = arith.cmpi ne, %convert_element_type3A, %cond3A : i32
    scf.if %cond3A_544 {
      "tpu.region"() ({
        %run_scoped3A = tpu.sem_alloc : memref<!tpu.dma_semaphore, #tpu.memory_space<semaphore_mem>>
        %dma_start3A_560 = arith.constant 1024 : i32
        %dma_start3A_561 = arith.constant 0 : i32
        %dma_start3A_562 = tpu.memref_slice %arg9[%dma_start3A_560, %dma_start3A_561] : memref<1032x128xf32, #tpu.memory_space<vmem_shared>> -> memref<8x128xf32, #tpu.memory_space<vmem_shared>>
        %dma_start3A_563 = arith.constant 1024 : i32
        %dma_start3A_564 = arith.constant 0 : i32
        %dma_start3A_565 = tpu.memref_slice %arg9[%dma_start3A_563, %dma_start3A_564] : memref<1032x128xf32, #tpu.memory_space<vmem_shared>> -> memref<8x128xf32, #tpu.memory_space<vmem_shared>>
        tpu.enqueue_dma source(%arg8 : memref<8x128xf32, #tpu.memory_space<vmem>>) target(%dma_start3A_565 : memref<8x128xf32, #tpu.memory_space<vmem_shared>>) target_semaphore(%run_scoped3A : memref<!tpu.dma_semaphore, #tpu.memory_space<semaphore_mem>>)
        %dma_wait3A = arith.constant 1024 : i32
        %dma_wait3A_566 = arith.constant 0 : i32
        %dma_wait3A_567 = tpu.memref_slice %arg9[%dma_wait3A, %dma_wait3A_566] : memref<1032x128xf32, #tpu.memory_space<vmem_shared>> -> memref<8x128xf32, #tpu.memory_space<vmem_shared>>
        %dma_wait3A_568 = arith.constant 1024 : i32
        %dma_wait3A_569 = arith.constant 0 : i32
        %dma_wait3A_570 = tpu.memref_slice %arg9[%dma_wait3A_568, %dma_wait3A_569] : memref<1032x128xf32, #tpu.memory_space<vmem_shared>> -> memref<8x128xf32, #tpu.memory_space<vmem_shared>>
        tpu.wait_dma2 semaphore(%run_scoped3A : memref<!tpu.dma_semaphore, #tpu.memory_space<semaphore_mem>>) src(%arg8 : memref<8x128xf32, #tpu.memory_space<vmem>>) dst(%dma_wait3A_570 : memref<8x128xf32, #tpu.memory_space<vmem_shared>>)
        tpu.yield
      }) : () -> ()
    } else {
    }
    %barrier3A = arith.constant 0 : index
    tpu.barrier barrier_id(%barrier3A)
    "tpu.region"() ({
      %run_scoped3A = tpu.sem_alloc : memref<!tpu.dma_semaphore, #tpu.memory_space<semaphore_mem>>
      %dma_start3A_560 = arith.constant 0 : i32
      %dma_start3A_561 = arith.constant 0 : i32
      %dma_start3A_562 = tpu.memref_slice %arg3[%add3A, %dma_start3A_560, %dma_start3A_561] : memref<32x50x64xi32, #tpu.memory_space<hbm>> -> memref<1x50x64xi32, #tpu.memory_space<hbm>>
      %dma_start3A_563 = tpu.memref_squeeze %dma_start3A_562 : memref<1x50x64xi32, #tpu.memory_space<hbm>> -> memref<50x64xi32, #tpu.memory_space<hbm>>
      %dma_start3A_564 = arith.constant 0 : i32
      %dma_start3A_565 = arith.constant 0 : i32
      %dma_start3A_566 = tpu.memref_slice %arg3[%add3A, %dma_start3A_564, %dma_start3A_565] : memref<32x50x64xi32, #tpu.memory_space<hbm>> -> memref<1x50x64xi32, #tpu.memory_space<hbm>>
      %dma_start3A_567 = tpu.memref_squeeze %dma_start3A_566 : memref<1x50x64xi32, #tpu.memory_space<hbm>> -> memref<50x64xi32, #tpu.memory_space<hbm>>
      tpu.enqueue_dma source(%dma_start3A_567 : memref<50x64xi32, #tpu.memory_space<hbm>>) target(%arg5 : memref<50x64xi32, #tpu.memory_space<vmem>>) target_semaphore(%run_scoped3A : memref<!tpu.dma_semaphore, #tpu.memory_space<semaphore_mem>>)
      %dma_wait3A = arith.constant 0 : i32
      %dma_wait3A_568 = arith.constant 0 : i32
      %dma_wait3A_569 = tpu.memref_slice %arg3[%add3A, %dma_wait3A, %dma_wait3A_568] : memref<32x50x64xi32, #tpu.memory_space<hbm>> -> memref<1x50x64xi32, #tpu.memory_space<hbm>>
      %dma_wait3A_570 = tpu.memref_squeeze %dma_wait3A_569 : memref<1x50x64xi32, #tpu.memory_space<hbm>> -> memref<50x64xi32, #tpu.memory_space<hbm>>
      %dma_wait3A_571 = arith.constant 0 : i32
      %dma_wait3A_572 = arith.constant 0 : i32
      %dma_wait3A_573 = tpu.memref_slice %arg3[%add3A, %dma_wait3A_571, %dma_wait3A_572] : memref<32x50x64xi32, #tpu.memory_space<hbm>> -> memref<1x50x64xi32, #tpu.memory_space<hbm>>
      %dma_wait3A_574 = tpu.memref_squeeze %dma_wait3A_573 : memref<1x50x64xi32, #tpu.memory_space<hbm>> -> memref<50x64xi32, #tpu.memory_space<hbm>>
      tpu.wait_dma2 semaphore(%run_scoped3A : memref<!tpu.dma_semaphore, #tpu.memory_space<semaphore_mem>>) src(%dma_wait3A_574 : memref<50x64xi32, #tpu.memory_space<hbm>>) dst(%arg5 : memref<50x64xi32, #tpu.memory_space<vmem>>)
      tpu.yield
    }) : () -> ()
    %mul3A_545 = arith.constant 3200 : i32
    %mul3A_546 = arith.muli %add3A, %mul3A_545 : i32
    %add3A_547 = arith.constant 0 : i32
    %add3A_548 = arith.addi %mul3A_546, %add3A_547 : i32
    %dma_start3A = arith.constant 0 : i32
    %dma_start3A_549 = tpu.memref_slice %arg2[%add3A_548, %dma_start3A] : memref<102400x128xf32, #tpu.memory_space<hbm>> -> memref<64x128xf32, #tpu.memory_space<hbm>>
    %dma_start3A_550 = arith.constant 0 : i32
    %dma_start3A_551 = tpu.memref_slice %arg2[%add3A_548, %dma_start3A_550] : memref<102400x128xf32, #tpu.memory_space<hbm>> -> memref<64x128xf32, #tpu.memory_space<hbm>>
    tpu.enqueue_dma source(%dma_start3A_551 : memref<64x128xf32, #tpu.memory_space<hbm>>) target(%arg6 : memref<64x128xf32, #tpu.memory_space<vmem>>) target_semaphore(%arg10 : memref<!tpu.dma_semaphore, #tpu.memory_space<semaphore_mem>>)
    %scan3A = arith.constant 0 : i32
    %scan3A_552 = arith.constant 0 : i32
    %scan3A_553 = arith.constant 25 : i32
    %scan3A_554 = arith.addi %scan3A_552, %scan3A_553 : i32
    %scan3A_555 = arith.constant 1 : i32
    scf.for %scan3A_560 = %scan3A_552 to %scan3A_554 step %scan3A_555  : i32 {
      %mul3A_561 = arith.constant 2 : i32
      %mul3A_562 = arith.muli %mul3A_561, %scan3A_560 : i32
      %add3A_563 = arith.constant 1 : i32
      %add3A_564 = arith.addi %mul3A_562, %add3A_563 : i32
      %mul3A_565 = arith.constant 64 : i32
      %mul3A_566 = arith.muli %add3A_564, %mul3A_565 : i32
      %add3A_567 = arith.addi %mul3A_546, %mul3A_566 : i32
      %dma_start3A_568 = arith.constant 0 : i32
      %dma_start3A_569 = tpu.memref_slice %arg2[%add3A_567, %dma_start3A_568] : memref<102400x128xf32, #tpu.memory_space<hbm>> -> memref<64x128xf32, #tpu.memory_space<hbm>>
      %dma_start3A_570 = arith.constant 0 : i32
      %dma_start3A_571 = tpu.memref_slice %arg2[%add3A_567, %dma_start3A_570] : memref<102400x128xf32, #tpu.memory_space<hbm>> -> memref<64x128xf32, #tpu.memory_space<hbm>>
      tpu.enqueue_dma source(%dma_start3A_571 : memref<64x128xf32, #tpu.memory_space<hbm>>) target(%arg7 : memref<64x128xf32, #tpu.memory_space<vmem>>) target_semaphore(%arg11 : memref<!tpu.dma_semaphore, #tpu.memory_space<semaphore_mem>>)
      %dma_wait3A = arith.constant 0 : i32
      %dma_wait3A_572 = arith.constant 0 : i32
      %dma_wait3A_573 = tpu.memref_slice %arg2[%dma_wait3A, %dma_wait3A_572] : memref<102400x128xf32, #tpu.memory_space<hbm>> -> memref<64x128xf32, #tpu.memory_space<hbm>>
      %dma_wait3A_574 = arith.constant 0 : i32
      %dma_wait3A_575 = arith.constant 0 : i32
      %dma_wait3A_576 = tpu.memref_slice %arg2[%dma_wait3A_574, %dma_wait3A_575] : memref<102400x128xf32, #tpu.memory_space<hbm>> -> memref<64x128xf32, #tpu.memory_space<hbm>>
      tpu.wait_dma2 semaphore(%arg10 : memref<!tpu.dma_semaphore, #tpu.memory_space<semaphore_mem>>) src(%dma_wait3A_576 : memref<64x128xf32, #tpu.memory_space<hbm>>) dst(%arg6 : memref<64x128xf32, #tpu.memory_space<vmem>>)
      "tpu.region"() ({
        %run_scoped3A = tpu.sem_alloc : memref<!tpu.dma_semaphore, #tpu.memory_space<semaphore_mem>>
        %dma_start3A_591 = arith.constant 0 : i32
        %dma_start3A_592 = tpu.memref_slice %arg5[%mul3A_562, %dma_start3A_591] : memref<50x64xi32, #tpu.memory_space<vmem>> -> memref<1x64xi32, #tpu.memory_space<vmem>>
        %dma_start3A_593 = tpu.memref_squeeze %dma_start3A_592 : memref<1x64xi32, #tpu.memory_space<vmem>> -> memref<64xi32, #tpu.memory_space<vmem>>
        %dma_start3A_594 = arith.constant 0 : i32
        %dma_start3A_595 = arith.constant 0 : i32
        %dma_start3A_596 = tpu.memref_slice %arg9[%dma_start3A_594, %dma_start3A_595] : memref<1032x128xf32, #tpu.memory_space<vmem_shared>> -> memref<1032x128xf32, #tpu.memory_space<vmem_shared>>
        tpu.enqueue_indirect_dma source(%arg6 : memref<64x128xf32, #tpu.memory_space<vmem>>) target(%dma_start3A_596 : memref<1032x128xf32, #tpu.memory_space<vmem_shared>>) offsets(%dma_start3A_593 : memref<64xi32, #tpu.memory_space<vmem>>) semaphore(%run_scoped3A : memref<!tpu.dma_semaphore, #tpu.memory_space<semaphore_mem>>) {add = true}
        %dma_wait3A_597 = arith.constant 0 : i32
        %dma_wait3A_598 = tpu.memref_slice %arg5[%mul3A_562, %dma_wait3A_597] : memref<50x64xi32, #tpu.memory_space<vmem>> -> memref<1x64xi32, #tpu.memory_space<vmem>>
        %dma_wait3A_599 = tpu.memref_squeeze %dma_wait3A_598 : memref<1x64xi32, #tpu.memory_space<vmem>> -> memref<64xi32, #tpu.memory_space<vmem>>
        %dma_wait3A_600 = arith.constant 0 : i32
        %dma_wait3A_601 = arith.constant 0 : i32
        %dma_wait3A_602 = tpu.memref_slice %arg9[%dma_wait3A_600, %dma_wait3A_601] : memref<1032x128xf32, #tpu.memory_space<vmem_shared>> -> memref<1032x128xf32, #tpu.memory_space<vmem_shared>>
        tpu.wait_indirect_dma semaphore(%run_scoped3A : memref<!tpu.dma_semaphore, #tpu.memory_space<semaphore_mem>>) src(%arg6 : memref<64x128xf32, #tpu.memory_space<vmem>>) dst(%dma_wait3A_602 : memref<1032x128xf32, #tpu.memory_space<vmem_shared>>)
        tpu.yield
      }) : () -> ()
      %add3A_577 = arith.constant 2 : i32
      %add3A_578 = arith.addi %mul3A_562, %add3A_577 : i32
      %lt3A = arith.constant 50 : i32
      %lt3A_579 = arith.cmpi slt, %add3A_578, %lt3A : i32
      %convert_element_type3A_580 = arith.extui %lt3A_579 : i1 to i32
      %cond3A_581 = arith.constant 0 : i32
      %cond3A_582 = arith.cmpi ne, %convert_element_type3A_580, %cond3A_581 : i32
      scf.if %cond3A_582 {
        %add3A_591 = arith.constant 2 : i32
        %add3A_592 = arith.addi %mul3A_562, %add3A_591 : i32
        %mul3A_593 = arith.constant 64 : i32
        %mul3A_594 = arith.muli %add3A_592, %mul3A_593 : i32
        %add3A_595 = arith.addi %mul3A_546, %mul3A_594 : i32
        %dma_start3A_596 = arith.constant 0 : i32
        %dma_start3A_597 = tpu.memref_slice %arg2[%add3A_595, %dma_start3A_596] : memref<102400x128xf32, #tpu.memory_space<hbm>> -> memref<64x128xf32, #tpu.memory_space<hbm>>
        %dma_start3A_598 = arith.constant 0 : i32
        %dma_start3A_599 = tpu.memref_slice %arg2[%add3A_595, %dma_start3A_598] : memref<102400x128xf32, #tpu.memory_space<hbm>> -> memref<64x128xf32, #tpu.memory_space<hbm>>
        tpu.enqueue_dma source(%dma_start3A_599 : memref<64x128xf32, #tpu.memory_space<hbm>>) target(%arg6 : memref<64x128xf32, #tpu.memory_space<vmem>>) target_semaphore(%arg10 : memref<!tpu.dma_semaphore, #tpu.memory_space<semaphore_mem>>)
      } else {
      }
      %dma_wait3A_583 = arith.constant 0 : i32
      %dma_wait3A_584 = arith.constant 0 : i32
      %dma_wait3A_585 = tpu.memref_slice %arg2[%dma_wait3A_583, %dma_wait3A_584] : memref<102400x128xf32, #tpu.memory_space<hbm>> -> memref<64x128xf32, #tpu.memory_space<hbm>>
      %dma_wait3A_586 = arith.constant 0 : i32
      %dma_wait3A_587 = arith.constant 0 : i32
      %dma_wait3A_588 = tpu.memref_slice %arg2[%dma_wait3A_586, %dma_wait3A_587] : memref<102400x128xf32, #tpu.memory_space<hbm>> -> memref<64x128xf32, #tpu.memory_space<hbm>>
      tpu.wait_dma2 semaphore(%arg11 : memref<!tpu.dma_semaphore, #tpu.memory_space<semaphore_mem>>) src(%dma_wait3A_588 : memref<64x128xf32, #tpu.memory_space<hbm>>) dst(%arg7 : memref<64x128xf32, #tpu.memory_space<vmem>>)
      %add3A_589 = arith.constant 1 : i32
      %add3A_590 = arith.addi %mul3A_562, %add3A_589 : i32
      "tpu.region"() ({
        %run_scoped3A = tpu.sem_alloc : memref<!tpu.dma_semaphore, #tpu.memory_space<semaphore_mem>>
        %dma_start3A_591 = arith.constant 0 : i32
        %dma_start3A_592 = tpu.memref_slice %arg5[%add3A_590, %dma_start3A_591] : memref<50x64xi32, #tpu.memory_space<vmem>> -> memref<1x64xi32, #tpu.memory_space<vmem>>
        %dma_start3A_593 = tpu.memref_squeeze %dma_start3A_592 : memref<1x64xi32, #tpu.memory_space<vmem>> -> memref<64xi32, #tpu.memory_space<vmem>>
        %dma_start3A_594 = arith.constant 0 : i32
        %dma_start3A_595 = arith.constant 0 : i32
        %dma_start3A_596 = tpu.memref_slice %arg9[%dma_start3A_594, %dma_start3A_595] : memref<1032x128xf32, #tpu.memory_space<vmem_shared>> -> memref<1032x128xf32, #tpu.memory_space<vmem_shared>>
        tpu.enqueue_indirect_dma source(%arg7 : memref<64x128xf32, #tpu.memory_space<vmem>>) target(%dma_start3A_596 : memref<1032x128xf32, #tpu.memory_space<vmem_shared>>) offsets(%dma_start3A_593 : memref<64xi32, #tpu.memory_space<vmem>>) semaphore(%run_scoped3A : memref<!tpu.dma_semaphore, #tpu.memory_space<semaphore_mem>>) {add = true}
        %dma_wait3A_597 = arith.constant 0 : i32
        %dma_wait3A_598 = tpu.memref_slice %arg5[%add3A_590, %dma_wait3A_597] : memref<50x64xi32, #tpu.memory_space<vmem>> -> memref<1x64xi32, #tpu.memory_space<vmem>>
        %dma_wait3A_599 = tpu.memref_squeeze %dma_wait3A_598 : memref<1x64xi32, #tpu.memory_space<vmem>> -> memref<64xi32, #tpu.memory_space<vmem>>
        %dma_wait3A_600 = arith.constant 0 : i32
        %dma_wait3A_601 = arith.constant 0 : i32
        %dma_wait3A_602 = tpu.memref_slice %arg9[%dma_wait3A_600, %dma_wait3A_601] : memref<1032x128xf32, #tpu.memory_space<vmem_shared>> -> memref<1032x128xf32, #tpu.memory_space<vmem_shared>>
        tpu.wait_indirect_dma semaphore(%run_scoped3A : memref<!tpu.dma_semaphore, #tpu.memory_space<semaphore_mem>>) src(%arg7 : memref<64x128xf32, #tpu.memory_space<vmem>>) dst(%dma_wait3A_602 : memref<1032x128xf32, #tpu.memory_space<vmem_shared>>)
        tpu.yield
      }) : () -> ()
    }
    %scan3A_556 = arith.constant 25 : i32
    %barrier3A_557 = arith.constant 0 : index
    tpu.barrier barrier_id(%barrier3A_557)
    %mul3A_558 = arith.constant 64 : i32
    %mul3A_559 = arith.muli %arg1, %mul3A_558 : i32
    "tpu.region"() ({
      %run_scoped3A = tpu.sem_alloc : memref<!tpu.dma_semaphore, #tpu.memory_space<semaphore_mem>>
      %dma_start3A_560 = arith.constant 0 : i32
      %dma_start3A_561 = tpu.memref_slice %arg4[%arg0, %mul3A_559, %dma_start3A_560] : memref<2x1024x128xf32, #tpu.memory_space<hbm>> -> memref<1x64x128xf32, #tpu.memory_space<hbm>>
      %dma_start3A_562 = tpu.memref_squeeze %dma_start3A_561 : memref<1x64x128xf32, #tpu.memory_space<hbm>> -> memref<64x128xf32, #tpu.memory_space<hbm>>
      %dma_start3A_563 = arith.constant 0 : i32
      %dma_start3A_564 = tpu.memref_slice %arg9[%mul3A_559, %dma_start3A_563] : memref<1032x128xf32, #tpu.memory_space<vmem_shared>> -> memref<64x128xf32, #tpu.memory_space<vmem_shared>>
      tpu.enqueue_dma source(%dma_start3A_564 : memref<64x128xf32, #tpu.memory_space<vmem_shared>>) target(%dma_start3A_562 : memref<64x128xf32, #tpu.memory_space<hbm>>) target_semaphore(%run_scoped3A : memref<!tpu.dma_semaphore, #tpu.memory_space<semaphore_mem>>)
      %dma_wait3A = arith.constant 0 : i32
      %dma_wait3A_565 = tpu.memref_slice %arg4[%arg0, %mul3A_559, %dma_wait3A] : memref<2x1024x128xf32, #tpu.memory_space<hbm>> -> memref<1x64x128xf32, #tpu.memory_space<hbm>>
      %dma_wait3A_566 = tpu.memref_squeeze %dma_wait3A_565 : memref<1x64x128xf32, #tpu.memory_space<hbm>> -> memref<64x128xf32, #tpu.memory_space<hbm>>
      %dma_wait3A_567 = arith.constant 0 : i32
      %dma_wait3A_568 = tpu.memref_slice %arg9[%mul3A_559, %dma_wait3A_567] : memref<1032x128xf32, #tpu.memory_space<vmem_shared>> -> memref<64x128xf32, #tpu.memory_space<vmem_shared>>
      tpu.wait_dma2 semaphore(%run_scoped3A : memref<!tpu.dma_semaphore, #tpu.memory_space<semaphore_mem>>) src(%dma_wait3A_568 : memref<64x128xf32, #tpu.memory_space<vmem_shared>>) dst(%dma_wait3A_566 : memref<64x128xf32, #tpu.memory_space<hbm>>)
      tpu.yield
    }) : () -> ()
    return
  }
}

module attributes {stable_mosaic.version = 14 : i64} {
  func.func @_comb_body(%arg0: memref<2x1024x128xf32, #tpu.memory_space<vmem>>, %arg1: memref<1024x16xf32, #tpu.memory_space<vmem>>, %arg2: memref<1024x128xf32, #tpu.memory_space<vmem>>) attributes {dimension_semantics = [], scalar_prefetch = 0 : i64, scratch_operands = 0 : i64, tpu.core_type = #tpu.core_type<tc>} {
    %get3A = arith.constant 0 : index
    %get3A_0 = arith.constant 0 : index
    %get3A_1 = arith.constant 0 : index
    %get3A_2 = vector.load %arg0[%get3A, %get3A_0, %get3A_1] : memref<2x1024x128xf32, #tpu.memory_space<vmem>>, vector<1x1024x128xf32>
    %get3A_3 = vector.shape_cast %get3A_2 : vector<1x1024x128xf32> to vector<1024x128xf32>
    %get3A_4 = arith.constant 1 : index
    %get3A_5 = arith.constant 0 : index
    %get3A_6 = arith.constant 0 : index
    %get3A_7 = vector.load %arg0[%get3A_4, %get3A_5, %get3A_6] : memref<2x1024x128xf32, #tpu.memory_space<vmem>>, vector<1x1024x128xf32>
    %get3A_8 = vector.shape_cast %get3A_7 : vector<1x1024x128xf32> to vector<1024x128xf32>
    %add3A = arith.addf %get3A_3, %get3A_8 : vector<1024x128xf32>
    %get3A_9 = arith.constant 0 : index
    %get3A_10 = arith.constant 0 : index
    %get3A_11 = vector.load %arg1[%get3A_9, %get3A_10] : memref<1024x16xf32, #tpu.memory_space<vmem>>, vector<1024x16xf32>
    %iota3A = tpu.iota {dimensions = array<i32: 0>} : vector<16x128xi32>
    %iota3A_12 = tpu.iota {dimensions = array<i32: 1>} : vector<16x128xi32>
    %jit3A = arith.constant 32 : i32
    %div3A = vector.broadcast %jit3A : i32 to vector<16x128xi32>
    %div3A_13 = arith.divsi %iota3A_12, %div3A : vector<16x128xi32>
    %sign3A = arith.constant 0 : i32
    %sign3A_14 = vector.broadcast %sign3A : i32 to vector<16x128xi32>
    %sign3A_15 = arith.cmpi sgt, %iota3A_12, %sign3A_14 : vector<16x128xi32>
    %sign3A_16 = arith.extui %sign3A_15 : vector<16x128xi1> to vector<16x128xi32>
    %sign3A_17 = arith.constant 0 : i32
    %sign3A_18 = vector.broadcast %sign3A_17 : i32 to vector<16x128xi32>
    %sign3A_19 = arith.cmpi slt, %iota3A_12, %sign3A_18 : vector<16x128xi32>
    %sign3A_20 = arith.extui %sign3A_19 : vector<16x128xi1> to vector<16x128xi32>
    %sign3A_21 = arith.subi %sign3A_16, %sign3A_20 : vector<16x128xi32>
    %sign3A_22 = arith.constant 0 : i32
    %sign3A_23 = arith.cmpi sgt, %jit3A, %sign3A_22 : i32
    %sign3A_24 = arith.extui %sign3A_23 : i1 to i32
    %sign3A_25 = arith.constant 0 : i32
    %sign3A_26 = arith.cmpi slt, %jit3A, %sign3A_25 : i32
    %sign3A_27 = arith.extui %sign3A_26 : i1 to i32
    %sign3A_28 = arith.subi %sign3A_24, %sign3A_27 : i32
    %ne3A = vector.broadcast %sign3A_28 : i32 to vector<16x128xi32>
    %ne3A_29 = arith.cmpi ne, %sign3A_21, %ne3A : vector<16x128xi32>
    %rem3A = vector.broadcast %jit3A : i32 to vector<16x128xi32>
    %rem3A_30 = arith.remsi %iota3A_12, %rem3A : vector<16x128xi32>
    %ne3A_31 = arith.constant 0 : i32
    %ne3A_32 = vector.broadcast %ne3A_31 : i32 to vector<16x128xi32>
    %ne3A_33 = arith.cmpi ne, %rem3A_30, %ne3A_32 : vector<16x128xi32>
    %and3A = arith.andi %ne3A_29, %ne3A_33 : vector<16x128xi1>
    %sub3A = arith.constant 1 : i32
    %sub3A_34 = vector.broadcast %sub3A : i32 to vector<16x128xi32>
    %sub3A_35 = arith.subi %div3A_13, %sub3A_34 : vector<16x128xi32>
    %select_n3A = arith.select %and3A, %sub3A_35, %div3A_13 : vector<16x128xi1>, vector<16x128xi32>
    %eq3A = arith.cmpi eq, %iota3A, %select_n3A : vector<16x128xi32>
    %convert_element_type3A = arith.extui %eq3A : vector<16x128xi1> to vector<16x128xi32>
    %convert_element_type3A_36 = arith.sitofp %convert_element_type3A : vector<16x128xi32> to vector<16x128xf32>
    %dot_general3A = arith.constant dense<0.000000e+00> : vector<1024x128xf32>
    %dot_general3A_37 = tpu.matmul %get3A_11, %convert_element_type3A_36, %dot_general3A {dimension_numbers = #tpu.dot_dimension_numbers<[1], [0], [0], [1], [0, 0, 1, 1], [], []>, transpose_lhs_hint = false} : vector<1024x16xf32>, vector<16x128xf32>, vector<1024x128xf32> -> vector<1024x128xf32>
    %add3A_38 = arith.constant 9.99999993E-9 : f32
    %add3A_39 = vector.broadcast %add3A_38 : f32 to vector<1024x128xf32>
    %add3A_40 = arith.addf %dot_general3A_37, %add3A_39 : vector<1024x128xf32>
    %div3A_41 = arith.divf %add3A, %add3A_40 : vector<1024x128xf32>
    %swap3A = arith.constant 0 : index
    %swap3A_42 = arith.constant 0 : index
    %swap3A_43 = vector.load %arg2[%swap3A, %swap3A_42] : memref<1024x128xf32, #tpu.memory_space<vmem>>, vector<1024x128xf32>
    tpu.vector_store %arg2[%swap3A, %swap3A_42], %div3A_41 {strides = array<i32>} : memref<1024x128xf32, #tpu.memory_space<vmem>>, vector<1024x128xf32>,
    return
  }
}

module attributes {stable_mosaic.version = 14 : i64} {
  func.func @_proj_body(%arg0: i32, %arg1: memref<1x1x1000xi32, #tpu.memory_space<vmem>>, %arg2: memref<1000x128xf32, #tpu.memory_space<vmem>>, %arg3: memref<128x128xf32, #tpu.memory_space<vmem>>, %arg4: memref<128x16xf32, #tpu.memory_space<vmem>>, %arg5: memref<1x16xf32, #tpu.memory_space<vmem>>, %arg6: memref<1x128xf32, #tpu.memory_space<vmem>>, %arg7: memref<1000x128xf32, #tpu.memory_space<vmem>>, %arg8: memref<1024x16xf32, #tpu.memory_space<vmem>>, %arg9: memref<1024x16xf32, #tpu.memory_space<vmem>>) attributes {dimension_semantics = [#tpu.dimension_semantics<arbitrary>], iteration_bounds = array<i64: 100>, scalar_prefetch = 0 : i64, scratch_operands = 1 : i64, tpu.core_type = #tpu.core_type<tc>, window_params = [{transform_indices = @transform_0, window_bounds = array<i64: 1, 1, 1000>}, {transform_indices = @transform_1, window_bounds = array<i64: 1000, 128>}, {pipeline_mode = #tpu.pipeline_mode<synchronous>, transform_indices = @transform_2, window_bounds = array<i64: 128, 128>}, {pipeline_mode = #tpu.pipeline_mode<synchronous>, transform_indices = @transform_3, window_bounds = array<i64: 128, 16>}, {pipeline_mode = #tpu.pipeline_mode<synchronous>, transform_indices = @transform_4, window_bounds = array<i64: 1, 16>}, {pipeline_mode = #tpu.pipeline_mode<synchronous>, transform_indices = @transform_5, window_bounds = array<i64: 1, 128>}, {transform_indices = @transform_6, window_bounds = array<i64: 1000, 128>}, {pipeline_mode = #tpu.pipeline_mode<synchronous>, transform_indices = @transform_7, window_bounds = array<i64: 1024, 16>}]} {
    %eq3A = arith.constant 0 : i32
    %eq3A_0 = arith.cmpi eq, %arg0, %eq3A : i32
    %convert_element_type3A = arith.extui %eq3A_0 : i1 to i32
    %cond3A = arith.constant 0 : i32
    %cond3A_1 = arith.cmpi ne, %convert_element_type3A, %cond3A : i32
    scf.if %cond3A_1 {
      %broadcast_in_dim3A_81 = arith.constant 0.000000e+00 : f32
      %broadcast_in_dim3A_82 = vector.broadcast %broadcast_in_dim3A_81 : f32 to vector<1024x16xf32>
      %swap3A_83 = arith.constant 0 : index
      %swap3A_84 = arith.constant 0 : index
      %swap3A_85 = vector.load %arg9[%swap3A_83, %swap3A_84] : memref<1024x16xf32, #tpu.memory_space<vmem>>, vector<1024x16xf32>
      tpu.vector_store %arg9[%swap3A_83, %swap3A_84], %broadcast_in_dim3A_82 {strides = array<i32>} : memref<1024x16xf32, #tpu.memory_space<vmem>>, vector<1024x16xf32>,
    } else {
    }
    %get3A = arith.constant 0 : index
    %get3A_2 = arith.constant 0 : index
    %get3A_3 = vector.load %arg2[%get3A, %get3A_2] : memref<1000x128xf32, #tpu.memory_space<vmem>>, vector<1000x128xf32>
    %get3A_4 = arith.constant 0 : index
    %get3A_5 = arith.constant 0 : index
    %get3A_6 = vector.load %arg3[%get3A_4, %get3A_5] : memref<128x128xf32, #tpu.memory_space<vmem>>, vector<128x128xf32>
    %dot_general3A = arith.constant dense<0.000000e+00> : vector<1000x128xf32>
    %dot_general3A_7 = tpu.matmul %get3A_3, %get3A_6, %dot_general3A {dimension_numbers = #tpu.dot_dimension_numbers<[1], [0], [0], [1], [0, 0, 1, 1], [], []>, transpose_lhs_hint = false} : vector<1000x128xf32>, vector<128x128xf32>, vector<1000x128xf32> -> vector<1000x128xf32>
    %get3A_8 = arith.constant 0 : index
    %get3A_9 = arith.constant 0 : index
    %get3A_10 = vector.load %arg6[%get3A_8, %get3A_9] : memref<1x128xf32, #tpu.memory_space<vmem>>, vector<1x128xf32>
    %add3A = vector.broadcast %get3A_10 : vector<1x128xf32> to vector<1000x128xf32>
    %add3A_11 = arith.addf %dot_general3A_7, %add3A : vector<1000x128xf32>
    %get3A_12 = arith.constant 0 : index
    %get3A_13 = arith.constant 0 : index
    %get3A_14 = vector.load %arg4[%get3A_12, %get3A_13] : memref<128x16xf32, #tpu.memory_space<vmem>>, vector<128x16xf32>
    %dot_general3A_15 = arith.constant dense<0.000000e+00> : vector<1000x16xf32>
    %dot_general3A_16 = tpu.matmul %get3A_3, %get3A_14, %dot_general3A_15 {dimension_numbers = #tpu.dot_dimension_numbers<[1], [0], [0], [1], [0, 0, 1, 1], [], []>, transpose_lhs_hint = false} : vector<1000x128xf32>, vector<128x16xf32>, vector<1000x16xf32> -> vector<1000x16xf32>
    %get3A_17 = arith.constant 0 : index
    %get3A_18 = arith.constant 0 : index
    %get3A_19 = vector.load %arg5[%get3A_17, %get3A_18] : memref<1x16xf32, #tpu.memory_space<vmem>>, vector<1x16xf32>
    %add3A_20 = vector.broadcast %get3A_19 : vector<1x16xf32> to vector<1000x16xf32>
    %add3A_21 = arith.addf %dot_general3A_16, %add3A_20 : vector<1000x16xf32>
    %exp3A = math.exp %add3A_21 : vector<1000x16xf32>
    %iota3A = tpu.iota {dimensions = array<i32: 0>} : vector<16x128xi32>
    %iota3A_22 = tpu.iota {dimensions = array<i32: 1>} : vector<16x128xi32>
    %jit3A = arith.constant 32 : i32
    %div3A = vector.broadcast %jit3A : i32 to vector<16x128xi32>
    %div3A_23 = arith.divsi %iota3A_22, %div3A : vector<16x128xi32>
    %sign3A = arith.constant 0 : i32
    %sign3A_24 = vector.broadcast %sign3A : i32 to vector<16x128xi32>
    %sign3A_25 = arith.cmpi sgt, %iota3A_22, %sign3A_24 : vector<16x128xi32>
    %sign3A_26 = arith.extui %sign3A_25 : vector<16x128xi1> to vector<16x128xi32>
    %sign3A_27 = arith.constant 0 : i32
    %sign3A_28 = vector.broadcast %sign3A_27 : i32 to vector<16x128xi32>
    %sign3A_29 = arith.cmpi slt, %iota3A_22, %sign3A_28 : vector<16x128xi32>
    %sign3A_30 = arith.extui %sign3A_29 : vector<16x128xi1> to vector<16x128xi32>
    %sign3A_31 = arith.subi %sign3A_26, %sign3A_30 : vector<16x128xi32>
    %sign3A_32 = arith.constant 0 : i32
    %sign3A_33 = arith.cmpi sgt, %jit3A, %sign3A_32 : i32
    %sign3A_34 = arith.extui %sign3A_33 : i1 to i32
    %sign3A_35 = arith.constant 0 : i32
    %sign3A_36 = arith.cmpi slt, %jit3A, %sign3A_35 : i32
    %sign3A_37 = arith.extui %sign3A_36 : i1 to i32
    %sign3A_38 = arith.subi %sign3A_34, %sign3A_37 : i32
    %ne3A = vector.broadcast %sign3A_38 : i32 to vector<16x128xi32>
    %ne3A_39 = arith.cmpi ne, %sign3A_31, %ne3A : vector<16x128xi32>
    %rem3A = vector.broadcast %jit3A : i32 to vector<16x128xi32>
    %rem3A_40 = arith.remsi %iota3A_22, %rem3A : vector<16x128xi32>
    %ne3A_41 = arith.constant 0 : i32
    %ne3A_42 = vector.broadcast %ne3A_41 : i32 to vector<16x128xi32>
    %ne3A_43 = arith.cmpi ne, %rem3A_40, %ne3A_42 : vector<16x128xi32>
    %and3A = arith.andi %ne3A_39, %ne3A_43 : vector<16x128xi1>
    %sub3A = arith.constant 1 : i32
    %sub3A_44 = vector.broadcast %sub3A : i32 to vector<16x128xi32>
    %sub3A_45 = arith.subi %div3A_23, %sub3A_44 : vector<16x128xi32>
    %select_n3A = arith.select %and3A, %sub3A_45, %div3A_23 : vector<16x128xi1>, vector<16x128xi32>
    %eq3A_46 = arith.cmpi eq, %iota3A, %select_n3A : vector<16x128xi32>
    %convert_element_type3A_47 = arith.extui %eq3A_46 : vector<16x128xi1> to vector<16x128xi32>
    %convert_element_type3A_48 = arith.sitofp %convert_element_type3A_47 : vector<16x128xi32> to vector<16x128xf32>
    %dot_general3A_49 = arith.constant dense<0.000000e+00> : vector<1000x128xf32>
    %dot_general3A_50 = tpu.matmul %exp3A, %convert_element_type3A_48, %dot_general3A_49 {dimension_numbers = #tpu.dot_dimension_numbers<[1], [0], [0], [1], [0, 0, 1, 1], [], []>, transpose_lhs_hint = false} : vector<1000x16xf32>, vector<16x128xf32>, vector<1000x128xf32> -> vector<1000x128xf32>
    %mul3A = arith.mulf %dot_general3A_50, %add3A_11 : vector<1000x128xf32>
    %swap3A = arith.constant 0 : index
    %swap3A_51 = arith.constant 0 : index
    %swap3A_52 = vector.load %arg7[%swap3A, %swap3A_51] : memref<1000x128xf32, #tpu.memory_space<vmem>>, vector<1000x128xf32>
    tpu.vector_store %arg7[%swap3A, %swap3A_51], %mul3A {strides = array<i32>} : memref<1000x128xf32, #tpu.memory_space<vmem>>, vector<1000x128xf32>,
    %get3A_53 = arith.constant 0 : index
    %get3A_54 = arith.constant 0 : index
    %get3A_55 = arith.constant 0 : index
    %get3A_56 = vector.load %arg1[%get3A_53, %get3A_54, %get3A_55] : memref<1x1x1000xi32, #tpu.memory_space<vmem>>, vector<1x1x1000xi32>
    %get3A_57 = vector.shape_cast %get3A_56 : vector<1x1x1000xi32> to vector<1x1000xi32>
    %convert_element_type3A_58 = arith.sitofp %get3A_57 : vector<1x1000xi32> to vector<1x1000xf32>
    %iota3A_59 = tpu.iota {dimensions = array<i32: 0>} : vector<1024x1000xi32>
    %convert_element_type3A_60 = arith.sitofp %iota3A_59 : vector<1024x1000xi32> to vector<1024x1000xf32>
    %broadcast_in_dim3A = vector.shape_cast %convert_element_type3A_58 : vector<1x1000xf32> to vector<1x1000xf32>
    %broadcast_in_dim3A_61 = vector.broadcast %broadcast_in_dim3A : vector<1x1000xf32> to vector<1024x1000xf32>
    %eq3A_62 = arith.cmpf oeq, %broadcast_in_dim3A_61, %convert_element_type3A_60 : vector<1024x1000xf32>
    %convert_element_type3A_63 = arith.extui %eq3A_62 : vector<1024x1000xi1> to vector<1024x1000xi32>
    %convert_element_type3A_64 = arith.sitofp %convert_element_type3A_63 : vector<1024x1000xi32> to vector<1024x1000xf32>
    %convert_element_type3A_65 = arith.truncf %convert_element_type3A_64 : vector<1024x1000xf32> to vector<1024x1000xbf16>
    %get3A_66 = arith.constant 0 : index
    %get3A_67 = arith.constant 0 : index
    %get3A_68 = vector.load %arg9[%get3A_66, %get3A_67] : memref<1024x16xf32, #tpu.memory_space<vmem>>, vector<1024x16xf32>
    %convert_element_type3A_69 = arith.truncf %exp3A : vector<1000x16xf32> to vector<1000x16xbf16>
    %dot_general3A_70 = arith.constant dense<0.000000e+00> : vector<1024x16xf32>
    %dot_general3A_71 = tpu.matmul %convert_element_type3A_65, %convert_element_type3A_69, %dot_general3A_70 {dimension_numbers = #tpu.dot_dimension_numbers<[1], [0], [0], [1], [0, 0, 1, 1], [], []>, transpose_lhs_hint = false} : vector<1024x1000xbf16>, vector<1000x16xbf16>, vector<1024x16xf32> -> vector<1024x16xf32>
    %add3A_72 = arith.addf %get3A_68, %dot_general3A_71 : vector<1024x16xf32>
    %swap3A_73 = arith.constant 0 : index
    %swap3A_74 = arith.constant 0 : index
    %swap3A_75 = vector.load %arg9[%swap3A_73, %swap3A_74] : memref<1024x16xf32, #tpu.memory_space<vmem>>, vector<1024x16xf32>
    tpu.vector_store %arg9[%swap3A_73, %swap3A_74], %add3A_72 {strides = array<i32>} : memref<1024x16xf32, #tpu.memory_space<vmem>>, vector<1024x16xf32>,
    %eq3A_76 = arith.constant 99 : i32
    %eq3A_77 = arith.cmpi eq, %arg0, %eq3A_76 : i32
    %convert_element_type3A_78 = arith.extui %eq3A_77 : i1 to i32
    %cond3A_79 = arith.constant 0 : i32
    %cond3A_80 = arith.cmpi ne, %convert_element_type3A_78, %cond3A_79 : i32
    scf.if %cond3A_80 {
      %get3A_81 = arith.constant 0 : index
      %get3A_82 = arith.constant 0 : index
      %get3A_83 = vector.load %arg9[%get3A_81, %get3A_82] : memref<1024x16xf32, #tpu.memory_space<vmem>>, vector<1024x16xf32>
      %swap3A_84 = arith.constant 0 : index
      %swap3A_85 = arith.constant 0 : index
      %swap3A_86 = vector.load %arg8[%swap3A_84, %swap3A_85] : memref<1024x16xf32, #tpu.memory_space<vmem>>, vector<1024x16xf32>
      tpu.vector_store %arg8[%swap3A_84, %swap3A_85], %get3A_83 {strides = array<i32>} : memref<1024x16xf32, #tpu.memory_space<vmem>>, vector<1024x16xf32>,
    } else {
    }
    return
  }
  func.func @transform_0(%arg0: i32) -> (i32, i32, i32) {
    %c0_i32 = arith.constant 0 : i32
    %c0_i32_0 = arith.constant 0 : i32
    %c0_i32_1 = arith.constant 0 : i32
    return %arg0, %c0_i32, %c0_i32_0 : i32, i32, i32
  }
  func.func @transform_1(%arg0: i32) -> (i32, i32) {
    %c0_i32 = arith.constant 0 : i32
    %c0_i32_0 = arith.constant 0 : i32
    return %arg0, %c0_i32 : i32, i32
  }
  func.func @transform_2(%arg0: i32) -> (i32, i32) {
    %c0_i32 = arith.constant 0 : i32
    %c0_i32_0 = arith.constant 0 : i32
    %c0_i32_1 = arith.constant 0 : i32
    return %c0_i32, %c0_i32_0 : i32, i32
  }
  func.func @transform_3(%arg0: i32) -> (i32, i32) {
    %c0_i32 = arith.constant 0 : i32
    %c0_i32_0 = arith.constant 0 : i32
    %c0_i32_1 = arith.constant 0 : i32
    return %c0_i32, %c0_i32_0 : i32, i32
  }
  func.func @transform_4(%arg0: i32) -> (i32, i32) {
    %c0_i32 = arith.constant 0 : i32
    %c0_i32_0 = arith.constant 0 : i32
    %c0_i32_1 = arith.constant 0 : i32
    return %c0_i32, %c0_i32_0 : i32, i32
  }
  func.func @transform_5(%arg0: i32) -> (i32, i32) {
    %c0_i32 = arith.constant 0 : i32
    %c0_i32_0 = arith.constant 0 : i32
    %c0_i32_1 = arith.constant 0 : i32
    return %c0_i32, %c0_i32_0 : i32, i32
  }
  func.func @transform_6(%arg0: i32) -> (i32, i32) {
    %c0_i32 = arith.constant 0 : i32
    %c0_i32_0 = arith.constant 0 : i32
    return %arg0, %c0_i32 : i32, i32
  }
  func.func @transform_7(%arg0: i32) -> (i32, i32) {
    %c0_i32 = arith.constant 0 : i32
    %c0_i32_0 = arith.constant 0 : i32
    %c0_i32_1 = arith.constant 0 : i32
    return %c0_i32, %c0_i32_0 : i32, i32
  }
}

</mosaic_0001>

<sc_bundles>
// kernel: kernel.5.cloned.1.call-start
scs
__scs_entry_jumppad:
0x0: {  	(pc) =	sbr.rel $0x88, $3  }
0x1: {  	(tag) =	ssettag $0x0;
	lr =	simm.s32 $0x1  }
0x2: {  	[smem:$0x3F9A] =	sst lr;
	_ =	strace $0xD0000000  }
0x3: {  	_ = 	snop  }
0x4: {  	_ = 	snop  }
0x5: {  	_ = 	snop  }
0x6: {  	_ = 	snop  }
0x7: {  	_ = 	snop  }
__scs_overlays_trampoline_lowered:
0x8: {  	[smem:$0x3FA9] =	sst s0  }
0x9: {  	[smem:$0x3FAA] =	sst s1  }
0xa: {  	[smem:$0x3FAB] =	sst s2  }
0xb: {  	[smem:$0x3FAC] =	sst s3  }
0xc: {  	[smem:$0x3FAD] =	sst s4  }
0xd: {  	[smem:$0x3FAE] =	sst s5  }
0xe: {  	[smem:$0x3FAF] =	sst s6  }
0xf: {  	[smem:$0x3FB0] =	sst s7  }
0x10: {  	[smem:$0x3FB1] =	sst s8  }
0x11: {  	[smem:$0x3FB2] =	sst s9;
	s0 =	simm.s32 @!p0 $0x0  }
0x12: {  	s1 =	sld [smem:$0x3F98];
	s0 =	simm.s32 @p0 $0x1  }
0x13: {  	[smem:$0x3FB3] =	sst s0;
	s0 =	simm.s32 @!p1 $0x0  }
0x14: {  	s2 =	sld [smem:$0x3F97];
	s0 =	simm.s32 @p1 $0x1  }
0x15: {  	[smem:$0x3FB4] =	sst s0;
	s0 =	simm.s32 @!p2 $0x0  }
0x16: {  	s3 =	sld [smem:$0x3FDB];
	s0 =	simm.s32 @p2 $0x1  }
0x17: {  	s4 =	simm.s32 $0x1BF5;
	[smem:$0x3FB6] =	sst s0  }
0x18: {  	s0 =	sld [smem:$0x3F99];
	_ =	swait.ge [sflag:s4], $0x0  }
0x19: {  	s7 =	sld [smem:$0x3F9A]  }
0x1a: {  	s8 =	sadd.s32 $0xFFFFE003, lr  }
0x1b: {  	s9 =	sadd.s32 $0xFFFFFEF7, lr;
	s5 =	simm.s32 $0xFFFFFFFF;
	p2 =	slt.u32 s8, $0xFFFFF086  }
0x1c: {  	p1 =	slt.u32 s9, $0xF7A;
	s5 =	simm.s32 @!p2 $0x0  }
0x1d: {  	s5 =	simm.s32 @p1 $0x1;
	p0 =	seq.s32 s7, s2  }
0x1e: {  	s7 =	smul.u32 @!p0 $0xF7A, s2;
	p2 =	seq.s32 @!p0 s5, $0x0  }
0x1f: {  	s9 =	smul.u32 $0xF7A, s1;
	s8 =	simm.s32 @!p0 $0x1BF5;
	p2 =	por !p2, p0  }
0x20: {  	[sflag:s8] =	ssyncset.s32 @!p0 $0xFFFFF086;
	s6 =	sadd.s32 @!p0 s3, s7;
	s7 =	simm.s32 @!p0 $0x108  }
0x21: {  	s3 =	sadd.s32 s3, s9;
	s6 =	sadd.s32 @!p0 $0x88, s6;
	s7 =	simm.s32 @p2 $0x1082  }
0x22: {  	[simem:s7], [sflag:s8] =	dma.local @!p0 [hbm:s6], $0xF7A  }
0x23: {  	s9 =	sor.u32 $0xD0000000, s2;
	s6 =	simm.s32 $0x108;
	_ =	swait.ge @!p0 [sflag:s8], $0x0  }
0x24: {  	s3 =	sadd.s32 $0x88, s3;
	s6 =	simm.s32 @!p1 $0x1082;
	[sflag:s4] =	ssyncset.s32 $0xFFFFF086  }
0x25: {  	[simem:s6], [sflag:s4] =	dma.local [hbm:s3], $0xF7A  }
0x26: {  	[smem:$0x3F9A] =	sst s1;
	(tag) =	ssettag s2;
	_ =	strace s9  }
0x27: {  	s1 =	sld [smem:$0x3FAA]  }
0x28: {  	s2 =	sld [smem:$0x3FAB]  }
0x29: {  	s4 =	sld [smem:$0x3FAD]  }
0x2a: {  	p0 =	seq.s32 s5, $0x0;
	s5 =	sld [smem:$0x3FAE]  }
0x2b: {  	s6 =	sld [smem:$0x3FAF]  }
0x2c: {  	s7 =	sld [smem:$0x3FB0]  }
0x2d: {  	s3 =	simm.s32 $0x108;
	s8 =	sld [smem:$0x3FB1]  }
0x2e: {  	s3 =	simm.s32 @!p0 $0x1082;
	s9 =	sld [smem:$0x3FB2]  }
0x2f: {  	lr =	sadd.s32 s0, s3;
	s0 =	sld [smem:$0x3FA9]  }
0x30: {  	s3 =	sld [smem:$0x3FAC]  }
0x31: {  	[smem:$0x3FB5] =	sst s10  }
0x32: {  	s10 =	sld [smem:$0x3FB3];
	_ =	sdelay $0x3  }
0x33: {  	p0 =	seq.s32 s10, $0x1;
	s10 =	sld [smem:$0x3FB5];
	_ =	sdelay $0x3  }
0x34: {  	[smem:$0x3FB5] =	sst s10  }
0x35: {  	s10 =	sld [smem:$0x3FB4];
	_ =	sdelay $0x3  }
0x36: {  	p1 =	seq.s32 s10, $0x1;
	s10 =	sld [smem:$0x3FB5];
	_ =	sdelay $0x3  }
0x37: {  	[smem:$0x3FB5] =	sst s10  }
0x38: {  	s10 =	sld [smem:$0x3FB6]  }
0x39: {  	_ = 	snop;
	(pc) =	sbr.ind lr, $3  }
0x3a: {  	_ = 	snop  }
0x3b: {  	_ = 	snop  }
0x3c: {  	p2 =	seq.s32 s10, $0x1;
	s10 =	sld [smem:$0x3FB5]  }
0x3d: {  	_ =	shalt  }
0x3e: {  	_ =	shalt  }
0x3f: {  	_ =	shalt  }
0x40: {  	_ =	shalt  }
0x41: {  	_ =	shalt  }
0x42: {  	_ =	shalt  }
0x43: {  	_ =	shalt  }
0x44: {  	_ =	shalt  }
0x45: {  	_ =	shalt  }
0x46: {  	_ =	shalt  }
0x47: {  	_ =	shalt  }
0x48: {  	_ =	shalt  }
0x49: {  	_ =	shalt  }
0x4a: {  	_ =	shalt  }
0x4b: {  	_ =	shalt  }
0x4c: {  	_ =	shalt  }
0x4d: {  	_ =	shalt  }
0x4e: {  	_ =	shalt  }
0x4f: {  	_ =	shalt  }
0x50: {  	_ =	shalt  }
0x51: {  	_ =	shalt  }
0x52: {  	_ =	shalt  }
0x53: {  	_ =	shalt  }
0x54: {  	_ =	shalt  }
0x55: {  	_ =	shalt  }
0x56: {  	_ =	shalt  }
0x57: {  	_ =	shalt  }
0x58: {  	_ =	shalt  }
0x59: {  	_ =	shalt  }
0x5a: {  	_ =	shalt  }
0x5b: {  	_ =	shalt  }
0x5c: {  	_ =	shalt  }
0x5d: {  	_ =	shalt  }
0x5e: {  	_ =	shalt  }
0x5f: {  	_ =	shalt  }
0x60: {  	_ =	shalt  }
0x61: {  	_ =	shalt  }
0x62: {  	_ =	shalt  }
0x63: {  	_ =	shalt  }
0x64: {  	_ =	shalt  }
0x65: {  	_ =	shalt  }
0x66: {  	_ =	shalt  }
0x67: {  	_ =	shalt  }
0x68: {  	_ =	shalt  }
0x69: {  	_ =	shalt  }
0x6a: {  	_ =	shalt  }
0x6b: {  	_ =	shalt  }
0x6c: {  	_ =	shalt  }
0x6d: {  	_ =	shalt  }
0x6e: {  	_ =	shalt  }
0x6f: {  	_ =	shalt  }
0x70: {  	_ =	shalt  }
0x71: {  	_ =	shalt  }
0x72: {  	_ =	shalt  }
0x73: {  	_ =	shalt  }
0x74: {  	_ =	shalt  }
0x75: {  	_ =	shalt  }
0x76: {  	_ =	shalt  }
0x77: {  	_ =	shalt  }
0x78: {  	_ =	shalt  }
0x79: {  	_ =	shalt  }
0x7a: {  	_ =	shalt  }
0x7b: {  	_ =	shalt  }
0x7c: {  	_ =	shalt  }
0x7d: {  	_ =	shalt  }
0x7e: {  	_ =	shalt  }
0x7f: {  	_ =	shalt  }
0x80: {  	_ =	shalt  }
0x81: {  	_ =	shalt  }
0x82: {  	_ =	shalt  }
0x83: {  	_ =	shalt  }
0x84: {  	_ =	shalt  }
0x85: {  	_ =	shalt  }
0x86: {  	_ =	shalt  }
0x87: {  	_ =	shalt  }
.Lfunc_end0:
.L_simem_size_0:
called_computation_lowered:
.L_overlay_start_0:
0x88: {  	s2 =	sld [smem:$0x3FD9]  }
0x89: {  	s3 =	sld [smem:$0x3FFE];
	_ =	sdelay $0x1  }
0x8a: {  	s1 =	srdreg.scid  }
0x8b: {  	s0 =	sand.u32 $0x1, s1  }
0x8c: {  	s16 =	sshll.u32 s0, $0xA;
	s2 =	sadd.s32 s3, s2  }
0x8d: {  	s2 =	sadd.s32 s2, s16  }
0x8e: {  	[smem:$0x3FC1] =	sst s2  }
0x8f: {  	_ = 	snop  }
0x90: {  	(tm) =	ssettm $0x1  }
0x91: {  	s17 =	sld [smem:$0x3FFB];
	_ =	sdelay $0x3  }
0x92: {  	_ =	strace s17  }
0x93: {  	s2 =	sld [smem:$0x3FFC];
	_ =	sdelay $0x3  }
0x94: {  	_ =	strace s2  }
0x95: {  	s2 =	sld [smem:$0x3FFD];
	_ =	sdelay $0x3  }
0x96: {  	_ =	strace s2  }
0x97: {  	_ =	strace $0x8FFFFFFF  }
0x98: {  	s18 =	sld [smem:$0x3FDB];
	_ =	sdelay $0x1  }
0x99: {  	s19 =	simm.s32 $_scs_section_size  }
0x9a: {  	s4 =	simm.s32 $_size__tile_overlayer_lowered;
	s5 =	simm.s32 $_tile_overlayer_lowered  }
0x9b: {  	s22 =	simm.s32 $0x1BFF;
	s21 =	sshll.u32 s5, $0x1;
	s2 =	sadd.s32 s19, s18  }
0x9c: {  	s6 =	simm.s32 $0x0;
	s20 =	sshll.u32 s4, $0x1;
	s4 =	sadd.s32 s21, s2  }
0x9d: {  	[timem:s6], [sflag:s22] =	dma.local [hbm:s4], s20  }
0x9e: {  	_ =	swait.ge [sflag:s22], s20  }
0x9f: {  	s3 =	ssub.s32 $0x0, s20;
	[sflag:s22] =	ssyncset.done $0x0  }
0xa0: {  	[sflag:s22] =	ssyncadd.s32 s3;
	_ =	sdelay $0x1  }
0xa1: {  	s23 =	simm.s32 $0x1B8B  }
0xa2: {  	_ =	swait.ge [sflag:s23], $0x1  }
0xa3: {  	[sflag:s23] =	ssyncset.done $0x0  }
0xa4: {  	s25 =	simm.s32 $0x1B8E;
	s24 =	sld [smem:$0x3FFE];
	[sflag:s23] =	ssyncadd.s32 $0xFFFFFFFF  }
0xa5: {  	s26 =	simm.s32 $execute0_lowered;
	[smem:$0x3FD2] =	sst s25  }
0xa6: {  	s4 =	sshll.u32 s26, $0x1;
	_ =	strace $0x80000046;
	[dreg:$0x1] =	wrdreg $0xFFFFFFFF  }
0xa7: {  	s28 =	simm.s32 $_size_execute0_lowered;
	s2 =	sadd.s32 s2, s4;
	[dreg:$0x0] =	wrdreg $0x0  }
0xa8: {  	s4 =	sshll.u32 s28, $0x1;
	[dreg:$0x2] =	wrdreg s2  }
0xa9: {  	[dreg:$0x3] =	wrdreg s4  }
0xaa: {  	[dreg:$0x4] =	wrdreg $0xC0  }
0xab: {  	_ =	task [dreg:s6], $0x5FFFF  }
0xac: {  	[dreg:$0x1] =	wrdreg $0xFFFFFFFF  }
0xad: {  	[dreg:$0x0] =	wrdreg $0x60  }
0xae: {  	[dreg:$0x2] =	wrdreg s24  }
0xaf: {  	[dreg:$0x3] =	wrdreg $0x60000  }
0xb0: {  	[dreg:$0x4] =	wrdreg $0x9  }
0xb1: {  	_ =	task.clear_ibuf [dreg:s6], $0x5FFFF;
	_ =	strace $0x90000046  }
0xb2: {  	s29 =	simm.s32 $0x9;
	_ =	strace $0x80000048  }
0xb3: {  	_ =	swait.ge [sflag:s29], $0x1  }
0xb4: {  	[sflag:s29] =	ssyncadd.s32 $0xFFFFFFFF  }
0xb5: {  	_ =	strace $0x90000048  }
0xb6: {  	_ =	sfence  }
0xb7: {  	s30 =	sld [smem:$0x0];
	_ =	sdelay $0x2  }
0xb8: {  	s31 =	sshll.u32 s1, $0xD;
	s1 =	sshrl.u32 s1, $0x2  }
0xb9: {  	s3 =	sand.u32 $0x4000, s31;
	s1 =	sadd.s32 s1, s30  }
0xba: {  	s0 =	sor.u32 s3, s0;
	s1 =	sshll.u32 s1, $0x11  }
0xbb: {  	s0 =	sor.u32 s1, s0  }
0xbc: {  	s0 =	sadd.s32 $0x8F2B, s0  }
0xbd: {  	[sflag:s0] =	ssyncadd.remote.s32 $0x1  }
0xbe: {  	_ =	sfence.sel $0xFFFF  }
0xbf: {  	[dreg:$0x0] =	wrdreg $0xFFFFFFFF;
	(pc) =	sbr.abs _section_cstart, $3  }
0xc0: {  	[dreg:$0x1] =	wrdreg $0xFFFFFFFF  }
0xc1: {  	_ =	task.clear_ibuf [dreg:s6], $0x2FFFF;
	_ =	strace $0x9FFFFFFF  }
0xc2: {  	(tm) =	ssettm $0x7FFFFFFF  }
0xc3: {  	_ =	shalt  }
tec
execute0_lowered:
.L_overlay_start_1:
0x0: {  	(tag) =	ssettag $0x1  }
0x1: {  	s0 =	rddreg [dreg:$0x0]  }
0x2: {  	s1 =	rddreg [dreg:$0x1]  }
0x3: {  	s2 =	simm.s32 $0x0;
	s22 =	stileid.u32;
	s5 =	srdreg.scid  }
0x4: {  	s28 =	simm.s32 $0x2;
	s31 =	simm.s32 $0x0;
	[smem:$0x7FF] =	sst s2  }
0x5: {  	s3 =	sshll.u32 s22, $0xA;
	s4 =	sadd.s32 $0x7000, s0;
	s14 =	sand.u32 $0x1, s5  }
0x6: {  	s7 =	sshll.u32 s22, $0xD;
	s13 =	sadd.s32 $0x20000, s1;
	p0 =	sne.s32 s22, $0x0  }
0x7: {  	_ =	strace $0x80000047;
	s3 =	sadd.s32 s3, s0;
	s6 =	ssub.s32 $0x2, s14  }
0x8: {  	s5 =	sshll.u32 s14, $0x4;
	s19 =	smul.u32 $0x640000, s14;
	s20 =	sshll.u32 s14, $0xE  }
0x9: {  	s8 =	sshrl.u32 s6, $0x1;
	s11 =	sor.u32 s22, s5;
	s5 =	sadd.s32 s7, s1  }
0xa: {  	s24 =	sadd.s32 s20, s3;
	s17 =	ssub.s32 s6, s8;
	s21 =	sadd.s32 $0x400, s5  }
0xb: {  	s15 =	smul.u32 $0x380, s11;
	s23 =	sadd.s32 $0x800, s5;
	s8 =	sadd.s32 $0xC00, s5  }
0xc: {  	s16 =	smul.u32 $0xC800, s11;
	s9 =	sadd.s32 $0x1000, s5;
	s10 =	sadd.s32 $0x1400, s5  }
0xd: {  	s18 =	smul.u32 $0x64000, s11;
	s11 =	sadd.s32 $0x1800, s5;
	[dreg:$0x3] =	wrdreg s21  }
0xe: {  	s12 =	sadd.s32 $0x1C00, s5;
	[dreg:$0x4] =	wrdreg s23;
	s21 =	smul.u32 $0x64000, s22  }
0xf: {  	s17 =	smax.u32 s17, $0x1;
	s22 =	simm.s32 $0x3;
	s23 =	simm.s32 $0x1C00  }
0x10: {  	s14 =	sadd.s32 s0, s15;
	s15 =	sadd.s32 s4, s16;
	s16 =	sadd.s32 $0x197000, s24  }
0x11: {  	s25 =	sshrl.u32 s18, $0x3;
	s24 =	simm.s32 $0x3C00;
	s26 =	sadd.s32 s21, s19  }
0x12: {  	s0 =	sadd.s32 s4, s25;
	s21 =	simm.s32 $0x5C00;
	s29 =	sor.u32 $0x2000, s26  }
0x13: {  	s25 =	simm.s32 $0x1;
	s18 =	sadd.s32 $0xC400, s0;
	s30 =	sshrl.u32 s29, $0x3  }
0x14: {  	v0 =	vimm.f32 $0.0e+00;
	s19 =	sadd.s32 $0x4000, s26;
	s26 =	simm.s32 $0x40;
	s20 =	sadd.s32 s30, s4  }
.LBB2_1:
0x15: {  	[tilespmem:$0x5C00] =	vst v0  }
0x16: {  	[tilespmem:$0x5C10] =	vst v0  }
0x17: {  	[tilespmem:$0x5C20] =	vst v0  }
0x18: {  	[tilespmem:$0x5C30] =	vst v0  }
0x19: {  	[tilespmem:$0x5C40] =	vst v0  }
0x1a: {  	[tilespmem:$0x5C50] =	vst v0  }
0x1b: {  	[tilespmem:$0x5C60] =	vst v0  }
0x1c: {  	[tilespmem:$0x5C70] =	vst v0  }
0x1d: {  	[tilespmem:$0x5C80] =	vst v0  }
0x1e: {  	[tilespmem:$0x5C90] =	vst v0  }
0x1f: {  	[tilespmem:$0x5CA0] =	vst v0  }
0x20: {  	[tilespmem:$0x5CB0] =	vst v0  }
0x21: {  	[tilespmem:$0x5CC0] =	vst v0  }
0x22: {  	[tilespmem:$0x5CD0] =	vst v0  }
0x23: {  	[tilespmem:$0x5CE0] =	vst v0  }
0x24: {  	[tilespmem:$0x5CF0] =	vst v0  }
0x25: {  	[tilespmem:$0x5D00] =	vst v0  }
0x26: {  	[tilespmem:$0x5D10] =	vst v0  }
0x27: {  	[tilespmem:$0x5D20] =	vst v0  }
0x28: {  	[tilespmem:$0x5D30] =	vst v0  }
0x29: {  	[tilespmem:$0x5D40] =	vst v0  }
0x2a: {  	[tilespmem:$0x5D50] =	vst v0  }
0x2b: {  	[tilespmem:$0x5D60] =	vst v0  }
0x2c: {  	[tilespmem:$0x5D70] =	vst v0  }
0x2d: {  	[tilespmem:$0x5D80] =	vst v0  }
0x2e: {  	[tilespmem:$0x5D90] =	vst v0  }
0x2f: {  	[tilespmem:$0x5DA0] =	vst v0  }
0x30: {  	[tilespmem:$0x5DB0] =	vst v0  }
0x31: {  	[tilespmem:$0x5DC0] =	vst v0  }
0x32: {  	[tilespmem:$0x5DD0] =	vst v0  }
0x33: {  	[tilespmem:$0x5DE0] =	vst v0  }
0x34: {  	[tilespmem:$0x5DF0] =	vst v0  }
0x35: {  	[tilespmem:$0x5E00] =	vst v0  }
0x36: {  	[tilespmem:$0x5E10] =	vst v0  }
0x37: {  	[tilespmem:$0x5E20] =	vst v0  }
0x38: {  	[tilespmem:$0x5E30] =	vst v0  }
0x39: {  	[tilespmem:$0x5E40] =	vst v0  }
0x3a: {  	[tilespmem:$0x5E50] =	vst v0  }
0x3b: {  	[tilespmem:$0x5E60] =	vst v0  }
0x3c: {  	[tilespmem:$0x5E70] =	vst v0  }
0x3d: {  	[tilespmem:$0x5E80] =	vst v0  }
0x3e: {  	[tilespmem:$0x5E90] =	vst v0  }
0x3f: {  	[tilespmem:$0x5EA0] =	vst v0  }
0x40: {  	[tilespmem:$0x5EB0] =	vst v0  }
0x41: {  	[tilespmem:$0x5EC0] =	vst v0  }
0x42: {  	[tilespmem:$0x5ED0] =	vst v0  }
0x43: {  	[tilespmem:$0x5EE0] =	vst v0  }
0x44: {  	[tilespmem:$0x5EF0] =	vst v0  }
0x45: {  	[tilespmem:$0x5F00] =	vst v0  }
0x46: {  	[tilespmem:$0x5F10] =	vst v0  }
0x47: {  	[tilespmem:$0x5F20] =	vst v0  }
0x48: {  	[tilespmem:$0x5F30] =	vst v0  }
0x49: {  	[tilespmem:$0x5F40] =	vst v0  }
0x4a: {  	[tilespmem:$0x5F50] =	vst v0  }
0x4b: {  	[tilespmem:$0x5F60] =	vst v0  }
0x4c: {  	[tilespmem:$0x5F70] =	vst v0  }
0x4d: {  	[tilespmem:$0x5F80] =	vst v0  }
0x4e: {  	[tilespmem:$0x5F90] =	vst v0  }
0x4f: {  	[tilespmem:$0x5FA0] =	vst v0  }
0x50: {  	[tilespmem:$0x5FB0] =	vst v0  }
0x51: {  	[tilespmem:$0x5FC0] =	vst v0  }
0x52: {  	[tilespmem:$0x5FD0] =	vst v0  }
0x53: {  	[tilespmem:$0x5FE0] =	vst v0  }
0x54: {  	[tilespmem:$0x5FF0] =	vst v0  }
0x55: {  	[spmem:s5] =	stream.linear.scatter [tilespmem:s21], [sflag:$0x3], $0x400, $0x38;
	[tilespmem:$0x8040] =	vst v63  }
0x56: {  	_ =	swait.ge [sflag:s22], $0x400  }
0x57: {  	[sflag:s22] =	ssyncset.done $0x0  }
0x58: {  	s0 =	rddreg [dreg:$0x3];
	[sflag:s22] =	ssyncadd.s32 $0xFFFFFC00  }
0x59: {  	[spmem:s0] =	stream.linear.scatter [tilespmem:s21], [sflag:$0x3], $0x400, $0x38;
	[tilespmem:$0x8040] =	vst v63  }
0x5a: {  	_ =	swait.ge [sflag:s22], $0x400  }
0x5b: {  	[sflag:s22] =	ssyncset.done $0x0  }
0x5c: {  	s7 =	rddreg [dreg:$0x4];
	[sflag:s22] =	ssyncadd.s32 $0xFFFFFC00  }
0x5d: {  	[spmem:s7] =	stream.linear.scatter [tilespmem:s21], [sflag:$0x3], $0x400, $0x38;
	[tilespmem:$0x8040] =	vst v63  }
0x5e: {  	_ =	swait.ge [sflag:s22], $0x400  }
0x5f: {  	[sflag:s22] =	ssyncset.done $0x0  }
0x60: {  	[sflag:s22] =	ssyncadd.s32 $0xFFFFFC00  }
0x61: {  	[spmem:s8] =	stream.linear.scatter [tilespmem:s21], [sflag:$0x3], $0x400, $0x38;
	[tilespmem:$0x8040] =	vst v63  }
0x62: {  	_ =	swait.ge [sflag:s22], $0x400  }
0x63: {  	[sflag:s22] =	ssyncset.done $0x0  }
0x64: {  	[sflag:s22] =	ssyncadd.s32 $0xFFFFFC00  }
0x65: {  	[spmem:s9] =	stream.linear.scatter [tilespmem:s21], [sflag:$0x3], $0x400, $0x38;
	[tilespmem:$0x8040] =	vst v63  }
0x66: {  	_ =	swait.ge [sflag:s22], $0x400  }
0x67: {  	[sflag:s22] =	ssyncset.done $0x0  }
0x68: {  	[sflag:s22] =	ssyncadd.s32 $0xFFFFFC00  }
0x69: {  	[spmem:s10] =	stream.linear.scatter [tilespmem:s21], [sflag:$0x3], $0x400, $0x38;
	[tilespmem:$0x8040] =	vst v63  }
0x6a: {  	_ =	swait.ge [sflag:s22], $0x400  }
0x6b: {  	[sflag:s22] =	ssyncset.done $0x0  }
0x6c: {  	[sflag:s22] =	ssyncadd.s32 $0xFFFFFC00  }
0x6d: {  	[spmem:s11] =	stream.linear.scatter [tilespmem:s21], [sflag:$0x3], $0x400, $0x38;
	[tilespmem:$0x8040] =	vst v63  }
0x6e: {  	_ =	swait.ge [sflag:s22], $0x400  }
0x6f: {  	[sflag:s22] =	ssyncset.done $0x0  }
0x70: {  	[sflag:s22] =	ssyncadd.s32 $0xFFFFFC00  }
0x71: {  	[spmem:s12] =	stream.linear.scatter [tilespmem:s21], [sflag:$0x3], $0x400, $0x38;
	[tilespmem:$0x8040] =	vst v63  }
0x72: {  	_ =	swait.ge [sflag:s22], $0x400  }
0x73: {  	[sflag:s22] =	ssyncset.done $0x0  }
0x74: {  	s0 =	simm.s32 @!p0 $0x5C00;
	[sflag:s22] =	ssyncadd.s32 $0xFFFFFC00  }
0x75: {  	[spmem:s13] =	stream.linear.scatter @!p0 [tilespmem:s0], [sflag:$0x3], $0x400, $0x38;
	[tilespmem:$0x8040] =	vst v63  }
0x76: {  	s0 =	simm.s32 @!p0 $0x3  }
0x77: {  	_ =	swait.ge @!p0 [sflag:s0], $0x400  }
0x78: {  	[sflag:s0] =	ssyncset.done @!p0 $0x0  }
0x79: {  	[sflag:s0] =	ssyncadd.s32 @!p0 $0xFFFFFC00  }
0x7a: {  	[bflag:$0x0] =	sbarrier.arrive $0xFFFF  }
0x7b: {  	[tilespmem:s2], [sflag:$0x3] =	stream.linear.gather [hbm4b:s14+s2], $0x1900, $0x38;
	[tilespmem:$0x8040] =	vst v63  }
0x7c: {  	_ =	swait.ge [sflag:s22], $0x1900  }
0x7d: {  	[sflag:s22] =	ssyncset.done $0x0  }
0x7e: {  	[sflag:s22] =	ssyncadd.s32 $0xFFFFE700  }
0x7f: {  	[tilespmem:s23], [sflag:$0x1] =	stream.linear.gather [hbm4b:s15+s2], $0x2000, $0x38;
	[tilespmem:$0x8040] =	vst v63  }
0x80: {  	s3 =	sadd.s32 $0x0, s20  }
0x81: {  	[tilespmem:s24], [sflag:$0x2] =	stream.linear.gather [hbm4b:s3+s2], $0x2000, $0x38;
	[tilespmem:$0x8040] =	vst v63  }
0x82: {  	_ =	swait.ge [sflag:s25], $0x2000  }
0x83: {  	[sflag:s25] =	ssyncset.done $0x0  }
0x84: {  	[sflag:s25] =	ssyncadd.s32 $0xFFFFE000  }
0x85: {  	[spmem:s1] =	stream.indirect.scatter.add.f32 [tilespmem:s23], [sflag:$0x3], $0x80, s2, s26, $0xb8;
	[tilespmem:$0x8040] =	vst v63  }
0x86: {  	_ =	swait.ge [sflag:s22], $0x2000  }
0x87: {  	s6 =	sshrl.u32 s19, $0x3;
	[sflag:s22] =	ssyncset.done $0x0  }
0x88: {  	s0 =	sadd.s32 s4, s6;
	[sflag:s22] =	ssyncadd.s32 $0xFFFFE000  }
0x89: {  	[tilespmem:s23], [sflag:$0x1] =	stream.linear.gather [hbm4b:s0+s2], $0x2000, $0x38;
	[tilespmem:$0x8040] =	vst v63  }
0x8a: {  	_ =	swait.ge [sflag:s28], $0x2000  }
0x8b: {  	[sflag:s28] =	ssyncset.done $0x0  }
0x8c: {  	s7 =	simm.s32 $0x80;
	[sflag:s28] =	ssyncadd.s32 $0xFFFFE000  }
0x8d: {  	[spmem:s1] =	stream.indirect.scatter.add.f32 [tilespmem:s24], [sflag:$0x3], $0x80, s7, s26, $0xb8;
	[tilespmem:$0x8040] =	vst v63  }
0x8e: {  	s29 =	simm.s32 $0x800;
	s30 =	simm.s32 $0x1000;
	_ =	swait.ge [sflag:s22], $0x2000  }
0x8f: {  	s3 =	sadd.s32 $0x4000, s19;
	s0 =	simm.s32 $0x100;
	[sflag:s22] =	ssyncset.done $0x0  }
.LBB2_2:
0x90: {  	s6 =	sadd.s32 s29, s20  }
0x91: {  	[sflag:s22] =	ssyncadd.s32 $0xFFFFE000;
	s29 =	smov.u32 s30;
	s7 =	sadd.s32 $0x800, s30  }
0x92: {  	[tilespmem:s24], [sflag:$0x2] =	stream.linear.gather [hbm4b:s6+s2], $0x2000, $0x38;
	[tilespmem:$0x8040] =	vst v63  }
0x93: {  	p1 =	sne.s32 s30, $0xB800;
	_ =	swait.ge [sflag:s25], $0x2000  }
0x94: {  	[sflag:s25] =	ssyncset.done $0x0  }
0x95: {  	[sflag:s25] =	ssyncadd.s32 $0xFFFFE000  }
0x96: {  	[spmem:s1] =	stream.indirect.scatter.add.f32 [tilespmem:s23], [sflag:$0x3], $0x80, s0, s26, $0xb8;
	[tilespmem:$0x8040] =	vst v63  }
0x97: {  	_ =	swait.ge [sflag:s22], $0x2000  }
0x98: {  	s6 =	sshrl.u32 s3, $0x3;
	[sflag:s22] =	ssyncset.done $0x0  }
0x99: {  	s6 =	sadd.s32 s4, s6;
	[sflag:s22] =	ssyncadd.s32 $0xFFFFE000  }
0x9a: {  	[tilespmem:s23], [sflag:$0x1] =	stream.linear.gather [hbm4b:s6+s2], $0x2000, $0x38;
	[tilespmem:$0x8040] =	vst v63  }
0x9b: {  	_ =	swait.ge [sflag:s28], $0x2000  }
.Ltmp0:
0x9c: {  	[sflag:s28] =	ssyncset.done $0x0;
	(pc) =	sbr.rel @p1 .LBB2_2-.Ltmp0, $4  }
0x9d: {  	s6 =	sadd.s32 $0x80, s0;
	[sflag:s28] =	ssyncadd.s32 $0xFFFFE000  }
0x9e: {  	[spmem:s1] =	stream.indirect.scatter.add.f32 [tilespmem:s24], [sflag:$0x3], $0x80, s6, s26, $0xb8;
	[tilespmem:$0x8040] =	vst v63  }
0x9f: {  	s3 =	sadd.s32 $0x4000, s3;
	_ =	swait.ge [sflag:s22], $0x2000  }
0xa0: {  	s30 =	smov.u32 s7;
	s0 =	sadd.s32 $0x100, s0;
	[sflag:s22] =	ssyncset.done $0x0  }
0xa1: {  	s6 =	sadd.s32 s29, s20;
	[sflag:s22] =	ssyncadd.s32 $0xFFFFE000  }
0xa2: {  	[tilespmem:s24], [sflag:$0x2] =	stream.linear.gather [hbm4b:s6+s2], $0x2000, $0x38;
	[tilespmem:$0x8040] =	vst v63  }
0xa3: {  	_ =	swait.ge [sflag:s25], $0x2000  }
0xa4: {  	[sflag:s25] =	ssyncset.done $0x0  }
0xa5: {  	[sflag:s25] =	ssyncadd.s32 $0xFFFFE000  }
0xa6: {  	[spmem:s1] =	stream.indirect.scatter.add.f32 [tilespmem:s23], [sflag:$0x3], $0x80, s0, s26, $0xb8;
	[tilespmem:$0x8040] =	vst v63  }
0xa7: {  	_ =	swait.ge [sflag:s22], $0x2000  }
0xa8: {  	s3 =	sshrl.u32 s3, $0x3;
	[sflag:s22] =	ssyncset.done $0x0  }
0xa9: {  	s3 =	sadd.s32 s4, s3;
	[sflag:s22] =	ssyncadd.s32 $0xFFFFE000  }
0xaa: {  	[tilespmem:s23], [sflag:$0x1] =	stream.linear.gather [hbm4b:s3+s2], $0x2000, $0x38;
	[tilespmem:$0x8040] =	vst v63  }
0xab: {  	_ =	swait.ge [sflag:s28], $0x2000  }
0xac: {  	[sflag:s28] =	ssyncset.done $0x0  }
0xad: {  	s3 =	sadd.s32 $0x80, s0;
	[sflag:s28] =	ssyncadd.s32 $0xFFFFE000  }
0xae: {  	[spmem:s1] =	stream.indirect.scatter.add.f32 [tilespmem:s24], [sflag:$0x3], $0x80, s3, s26, $0xb8;
	[tilespmem:$0x8040] =	vst v63  }
0xaf: {  	_ =	swait.ge [sflag:s22], $0x2000  }
0xb0: {  	[sflag:s22] =	ssyncset.done $0x0  }
0xb1: {  	[sflag:s22] =	ssyncadd.s32 $0xFFFFE000  }
0xb2: {  	[tilespmem:s24], [sflag:$0x2] =	stream.linear.gather [hbm4b:s18+s2], $0x2000, $0x38;
	[tilespmem:$0x8040] =	vst v63  }
0xb3: {  	_ =	swait.ge [sflag:s25], $0x2000  }
0xb4: {  	[sflag:s25] =	ssyncset.done $0x0  }
0xb5: {  	s6 =	simm.s32 $0x1800;
	[sflag:s25] =	ssyncadd.s32 $0xFFFFE000  }
0xb6: {  	[spmem:s1] =	stream.indirect.scatter.add.f32 [tilespmem:s23], [sflag:$0x3], $0x80, s6, s26, $0xb8;
	[tilespmem:$0x8040] =	vst v63  }
0xb7: {  	_ =	swait.ge [sflag:s22], $0x2000  }
0xb8: {  	[sflag:s22] =	ssyncset.done $0x0  }
0xb9: {  	[sflag:s22] =	ssyncadd.s32 $0xFFFFE000  }
0xba: {  	_ =	swait.ge [sflag:s28], $0x2000  }
0xbb: {  	[sflag:s28] =	ssyncset.done $0x0  }
0xbc: {  	s7 =	simm.s32 $0x1880;
	[sflag:s28] =	ssyncadd.s32 $0xFFFFE000  }
0xbd: {  	[spmem:s1] =	stream.indirect.scatter.add.f32 [tilespmem:s24], [sflag:$0x3], $0x80, s7, s26, $0xb8;
	[tilespmem:$0x8040] =	vst v63  }
0xbe: {  	s29 =	stileid.u32;
	_ =	swait.ge [sflag:s22], $0x2000  }
0xbf: {  	s30 =	sshrl.u32 s5, $0x3;
	s31 =	sadd.s32 $0x1, s31;
	[sflag:s22] =	ssyncset.done $0x0  }
0xc0: {  	p1 =	sne.s32 s31, s17;
	s0 =	sshll.u32 s29, $0x6;
	[sflag:s22] =	ssyncadd.s32 $0xFFFFE000  }
.Ltmp1:
0xc1: {  	s0 =	sor.u32 $0x1C03, s0;
	[bflag:$0x0] =	sbarrier.arrive $0xFFFF;
	(pc) =	sbr.rel @p1 .LBB2_1-.Ltmp1, $4  }
0xc2: {  	[hbm:s16], [sflag:s0] =	dma.local [spmem:s30], $0x400  }
0xc3: {  	_ =	swait.ge [sflag:s22], $0x400  }
0xc4: {  	[sflag:s22] =	ssyncset.done $0x0  }
0xc5: {  	[sflag:s22] =	ssyncadd.s32 $0xFFFFFC00  }
0xc6: {  	_ =	sfence.sel $0x180000  }
0xc7: {  	[bflag:$0x0] =	sbarrier.arrive $0xFFFF  }
0xc8: {  	_ =	strace $0x90000047  }
0xc9: {  	[bflag:$0x2] =	sbarrier.arrive $0xFFFF  }
0xca: {  	s0 =	rddreg [dreg:$0x2]  }
0xcb: {  	s0 =	sadd.s32 @!p0 $0x100000, s0  }
0xcc: {  	[sflag:s0] =	ssyncadd.tile.s32 @!p0 $0x1;
	_ =	shalt  }
.Lfunc_end2:
_tile_overlayer_lowered:
.L_overlay_start_2:
0xcd: {  	(tag) =	ssettag $0x2  }
0xce: {  	s0 =	rddreg [dreg:$0x0];
	s2 =	stileid.u32  }
0xcf: {  	s1 =	rddreg [dreg:$0x1];
	p0 =	sne.s32 s2, $0x0  }
0xd0: {  	s3 =	rddreg [dreg:$0x2];
	[bflag:$0x3] =	sbarrier.arrive $0xFFFF;
	s2 =	simm.s32 @!p0 $0x1C03  }
0xd1: {  	[timem:s3], [sflag:s2] =	dma.local @!p0 [hbm:s0], s1  }
0xd2: {  	s0 =	simm.s32 @!p0 $0x3  }
0xd3: {  	_ =	swait.ge @!p0 [sflag:s0], s1  }
0xd4: {  	s1 =	ssub.s32 @!p0 $0x0, s1;
	[sflag:s0] =	ssyncset.done @!p0 $0x0  }
0xd5: {  	[sflag:s0] =	ssyncadd.s32 @!p0 s1  }
0xd6: {  	[bflag:$0x3] =	sbarrier.arrive $0xFFFF  }
0xd7: {  	_ =	shalt  }

</sc_bundles>
